<compile_context>
chip_gen: v7x
topology: tpu7x:2x2x1
jax: 0.10.2.dev20260603
libtpu: 0.0.44.dev20260713+nightly
codegen_flags: <defaults>
</compile_context>

<pallas_src>
import functools

import jax
import jax.numpy as jnp
from jax import lax
from jax.experimental import pallas as pl
from jax.experimental.pallas import tpu as pltpu
from jax.experimental.pallas import tpu_sc as plsc

_G = 256
_NB = 3
_NW = 32


def _build_gather(B, V, D):
    info = plsc.get_sparse_core_info()
    NC = info.num_cores
    mesh = plsc.VectorSubcoreMesh(core_axis_name="c", subcore_axis_name="s")

    full = B // _G
    tail = B - full * _G
    assert tail % 8 == 0
    max_steps = -(-full // _NW)
    idx_cap = max_steps * _G

    @functools.partial(
        pl.kernel,
        mesh=mesh,
        out_type=jax.ShapeDtypeStruct((B, D), jnp.float32),
        scratch_types=[
            pltpu.VMEM((idx_cap,), jnp.int32),
            pltpu.VMEM((max(tail, 8),), jnp.int32),
            pltpu.VMEM((_NB, _G, D), jnp.float32),
            pltpu.VMEM_SHARED((V, D), jnp.float32),
            pltpu.SemaphoreType.DMA((_NB,)),
            pltpu.SemaphoreType.DMA((_NB,)),
        ],
    )
    def k(table_hbm, idx_hbm, out_hbm, idx_v, tidx_v, buf, table_v, gsem, wsem):
        wid = lax.axis_index("s") * NC + lax.axis_index("c")
        lo = wid * full // _NW
        hi = (wid + 1) * full // _NW
        n = hi - lo

        @pl.when(lax.axis_index("s") == 0)
        def _():
            pltpu.sync_copy(table_hbm, table_v)

        pltpu.sync_copy(idx_hbm.at[pl.ds(lo * _G, idx_cap)], idx_v)
        plsc.subcore_barrier()

        def fire_gathers(t):
            b = t % _NB
            for p in range(_G // 128):
                pltpu.async_copy(
                    table_v.at[idx_v.at[pl.ds(t * _G + p * 128, 8)]],
                    buf.at[b, pl.ds(p * 128, 8)],
                    gsem.at[b],
                )

        def drain_gathers(t):
            b = t % _NB
            for p in range(_G // 128):
                pltpu.make_async_copy(
                    out_hbm.at[pl.ds(0, 8)], buf.at[b, pl.ds(0, 8)],
                    gsem.at[b],
                ).wait()

        def drain_write(t):
            b = t % _NB
            pltpu.make_async_copy(
                buf.at[b], out_hbm.at[pl.ds(0, _G)], wsem.at[b]
            ).wait()

        fire_gathers(0)

        @pl.when(n > 1)
        def _():
            fire_gathers(1)

        def body(t, carry):
            b = t % _NB
            drain_gathers(t)
            pltpu.async_copy(
                buf.at[b], out_hbm.at[pl.ds((lo + t) * _G, _G)], wsem.at[b]
            )

            @pl.when((t >= 1) & (t + 2 < n))
            def _():
                drain_write(t - 1)

            @pl.when(t + 2 < n)
            def _():
                fire_gathers(t + 2)

            return carry

        lax.fori_loop(0, n, body, 0)

        drain_write(n - 1)

        @pl.when(n > 1)
        def _():
            drain_write(n - 2)

        @pl.when(n > 2)
        def _():
            drain_write(n - 3)

        if tail:
            @pl.when(wid == 0)
            def _():
                base = full * _G
                pltpu.sync_copy(idx_hbm.at[pl.ds(base, tail)], tidx_v)
                chunks = [
                    (o, min(128, tail - o)) for o in range(0, tail, 128)
                ]
                for o, sz in chunks:
                    pltpu.async_copy(
                        table_v.at[tidx_v.at[pl.ds(o, sz)]],
                        buf.at[0, pl.ds(o, sz)],
                        gsem.at[0],
                    )
                for o, sz in chunks:
                    pltpu.make_async_copy(
                        out_hbm.at[pl.ds(0, sz)], buf.at[0, pl.ds(0, sz)],
                        gsem.at[0],
                    ).wait()
                pltpu.sync_copy(
                    buf.at[0, pl.ds(0, tail)], out_hbm.at[pl.ds(base, tail)]
                )

    return k


def kernel(atomic_numbers, embedding_table):
    B = atomic_numbers.shape[0]
    V, D = embedding_table.shape
    idx = atomic_numbers.astype(jnp.int32)
    return _build_gather(B, V, D)(embedding_table, idx)

# --- scband reference (transcript-rebuilt; emitter-appended) ---
"""Pipeline reference for scband-atom-embedding-11209864642666 (READ-ONLY COPY).

The authoritative reference and input builder live on the scoring server;
editing this copy changes nothing except your own understanding.
"""

import jax, jax.numpy as jnp
import numpy as np

EMBED_DIMS = 128
MAX_ATOMIC_NUMBER = 120
N_ATOMS = 100000

def setup_inputs(seed: int = 0) -> dict:
    key = jax.random.key(seed)
    k_idx, k_tab = jax.random.split(key)
    atomic_numbers = jax.random.randint(k_idx, (N_ATOMS,), 0, MAX_ATOMIC_NUMBER, dtype=jnp.int64 if jax.config.jax_enable_x64 else jnp.int32)
    # flax nn.Embed default init: variance_scaling(1.0, 'fan_in', 'normal', out_axis=0)
    stddev = 1.0 / np.sqrt(EMBED_DIMS)
    embedding_table = jax.random.normal(k_tab, (MAX_ATOMIC_NUMBER, EMBED_DIMS), dtype=jnp.float32) * stddev
    return {"atomic_numbers": atomic_numbers, "embedding_table": embedding_table}

def reference(atomic_numbers, embedding_table):
    # AtomEmbedding.__call__: nn.Embed(num_embeddings=max_atomic_number, features=embed_dims)(atomic_numbers)
    # e3nn.IrrepsArray('{embed_dims}x0e', ...) is a pure metadata wrapper around the array (scalar irreps);
    # the underlying numerical output is the gathered embedding table.
    atom_embeddings = jnp.take(embedding_table, atomic_numbers, axis=0)
    return atom_embeddings

if __name__ == "__main__":
    import jax
    _d = setup_inputs()
    print(jax.jit(kernel)(*tuple(_d.values())))

</pallas_src>

<mosaic_0001>
#map = affine_map<(d0, d1) -> (0, 0)>
#map1 = affine_map<(d0, d1) -> (0)>
module attributes {stable_mosaic.version = 14 : i64} {
  func.func @k(%arg0: i32, %arg1: i32, %arg2: memref<120x128xf32, #tpu.memory_space<hbm>>, %arg3: memref<100000xi32, #tpu.memory_space<hbm>>, %arg4: memref<100000x128xf32, #tpu.memory_space<hbm>>, %arg5: memref<3328xi32, #tpu.memory_space<vmem>>, %arg6: memref<160xi32, #tpu.memory_space<vmem>>, %arg7: memref<3x256x128xf32, #tpu.memory_space<vmem>>, %arg8: memref<120x128xf32, #tpu.memory_space<vmem_shared>>, %arg9: memref<3x!tpu.dma_semaphore, #tpu.memory_space<semaphore_mem>>, %arg10: memref<3x!tpu.dma_semaphore, #tpu.memory_space<semaphore_mem>>) attributes {dimension_semantics = [#tpu.dimension_semantics<core_parallel>, #tpu.dimension_semantics<subcore_parallel>], iteration_bounds = array<i64: 2, 16>, scalar_prefetch = 0 : i64, scratch_operands = 6 : i64, tpu.core_type = #tpu.core_type<sc_vector_subcore>, window_params = [{transform_indices = #map}, {transform_indices = #map1}, {transform_indices = #map}]} {
    %mul3A = arith.constant 2 : i32
    %mul3A_0 = arith.muli %arg1, %mul3A : i32
    %add3A = arith.addi %mul3A_0, %arg0 : i32
    %mul3A_1 = arith.constant 390 : i32
    %mul3A_2 = arith.muli %add3A, %mul3A_1 : i32
    %jit3A = arith.constant 32 : i32
    %div3A = arith.divsi %mul3A_2, %jit3A : i32
    %sign3A = arith.constant 0 : i32
    %sign3A_3 = arith.cmpi sgt, %mul3A_2, %sign3A : i32
    %sign3A_4 = arith.extui %sign3A_3 : i1 to i32
    %sign3A_5 = arith.constant 0 : i32
    %sign3A_6 = arith.cmpi slt, %mul3A_2, %sign3A_5 : i32
    %sign3A_7 = arith.extui %sign3A_6 : i1 to i32
    %sign3A_8 = arith.subi %sign3A_4, %sign3A_7 : i32
    %sign3A_9 = arith.constant 0 : i32
    %sign3A_10 = arith.cmpi sgt, %jit3A, %sign3A_9 : i32
    %sign3A_11 = arith.extui %sign3A_10 : i1 to i32
    %sign3A_12 = arith.constant 0 : i32
    %sign3A_13 = arith.cmpi slt, %jit3A, %sign3A_12 : i32
    %sign3A_14 = arith.extui %sign3A_13 : i1 to i32
    %sign3A_15 = arith.subi %sign3A_11, %sign3A_14 : i32
    %ne3A = arith.cmpi ne, %sign3A_8, %sign3A_15 : i32
    %rem3A = arith.remsi %mul3A_2, %jit3A : i32
    %ne3A_16 = arith.constant 0 : i32
    %ne3A_17 = arith.cmpi ne, %rem3A, %ne3A_16 : i32
    %and3A = arith.andi %ne3A, %ne3A_17 : i1
    %sub3A = arith.constant 1 : i32
    %sub3A_18 = arith.subi %div3A, %sub3A : i32
    %select_n3A = arith.select %and3A, %sub3A_18, %div3A : i32
    %add3A_19 = arith.constant 1 : i32
    %add3A_20 = arith.addi %add3A, %add3A_19 : i32
    %mul3A_21 = arith.constant 390 : i32
    %mul3A_22 = arith.muli %add3A_20, %mul3A_21 : i32
    %jit3A_23 = arith.constant 32 : i32
    %div3A_24 = arith.divsi %mul3A_22, %jit3A_23 : i32
    %sign3A_25 = arith.constant 0 : i32
    %sign3A_26 = arith.cmpi sgt, %mul3A_22, %sign3A_25 : i32
    %sign3A_27 = arith.extui %sign3A_26 : i1 to i32
    %sign3A_28 = arith.constant 0 : i32
    %sign3A_29 = arith.cmpi slt, %mul3A_22, %sign3A_28 : i32
    %sign3A_30 = arith.extui %sign3A_29 : i1 to i32
    %sign3A_31 = arith.subi %sign3A_27, %sign3A_30 : i32
    %sign3A_32 = arith.constant 0 : i32
    %sign3A_33 = arith.cmpi sgt, %jit3A_23, %sign3A_32 : i32
    %sign3A_34 = arith.extui %sign3A_33 : i1 to i32
    %sign3A_35 = arith.constant 0 : i32
    %sign3A_36 = arith.cmpi slt, %jit3A_23, %sign3A_35 : i32
    %sign3A_37 = arith.extui %sign3A_36 : i1 to i32
    %sign3A_38 = arith.subi %sign3A_34, %sign3A_37 : i32
    %ne3A_39 = arith.cmpi ne, %sign3A_31, %sign3A_38 : i32
    %rem3A_40 = arith.remsi %mul3A_22, %jit3A_23 : i32
    %ne3A_41 = arith.constant 0 : i32
    %ne3A_42 = arith.cmpi ne, %rem3A_40, %ne3A_41 : i32
    %and3A_43 = arith.andi %ne3A_39, %ne3A_42 : i1
    %sub3A_44 = arith.constant 1 : i32
    %sub3A_45 = arith.subi %div3A_24, %sub3A_44 : i32
    %select_n3A_46 = arith.select %and3A_43, %sub3A_45, %div3A_24 : i32
    %sub3A_47 = arith.subi %select_n3A_46, %select_n3A : i32
    %eq3A = arith.constant 0 : i32
    %eq3A_48 = arith.cmpi eq, %arg1, %eq3A : i32
    %convert_element_type3A = arith.extui %eq3A_48 : i1 to i32
    %cond3A = arith.constant 0 : i32
    %cond3A_49 = arith.cmpi ne, %convert_element_type3A, %cond3A : i32
    scf.if %cond3A_49 {
      "tpu.region"() ({
        %run_scoped3A = tpu.sem_alloc : memref<!tpu.dma_semaphore, #tpu.memory_space<semaphore_mem>>
        tpu.enqueue_dma source(%arg2 : memref<120x128xf32, #tpu.memory_space<hbm>>) target(%arg8 : memref<120x128xf32, #tpu.memory_space<vmem_shared>>) target_semaphore(%run_scoped3A : memref<!tpu.dma_semaphore, #tpu.memory_space<semaphore_mem>>)
        tpu.wait_dma2 semaphore(%run_scoped3A : memref<!tpu.dma_semaphore, #tpu.memory_space<semaphore_mem>>) src(%arg2 : memref<120x128xf32, #tpu.memory_space<hbm>>) dst(%arg8 : memref<120x128xf32, #tpu.memory_space<vmem_shared>>)
        tpu.yield
      }) : () -> ()
    } else {
    }
    %mul3A_50 = arith.constant 256 : i32
    %mul3A_51 = arith.muli %select_n3A, %mul3A_50 : i32
    "tpu.region"() ({
      %run_scoped3A = tpu.sem_alloc : memref<!tpu.dma_semaphore, #tpu.memory_space<semaphore_mem>>
      %dma_start3A_137 = tpu.memref_slice %arg3[%mul3A_51] : memref<100000xi32, #tpu.memory_space<hbm>> -> memref<3328xi32, #tpu.memory_space<hbm>>
      %dma_start3A_138 = tpu.memref_slice %arg3[%mul3A_51] : memref<100000xi32, #tpu.memory_space<hbm>> -> memref<3328xi32, #tpu.memory_space<hbm>>
      tpu.enqueue_dma source(%dma_start3A_138 : memref<3328xi32, #tpu.memory_space<hbm>>) target(%arg5 : memref<3328xi32, #tpu.memory_space<vmem>>) target_semaphore(%run_scoped3A : memref<!tpu.dma_semaphore, #tpu.memory_space<semaphore_mem>>)
      %dma_wait3A_139 = tpu.memref_slice %arg3[%mul3A_51] : memref<100000xi32, #tpu.memory_space<hbm>> -> memref<3328xi32, #tpu.memory_space<hbm>>
      %dma_wait3A_140 = tpu.memref_slice %arg3[%mul3A_51] : memref<100000xi32, #tpu.memory_space<hbm>> -> memref<3328xi32, #tpu.memory_space<hbm>>
      tpu.wait_dma2 semaphore(%run_scoped3A : memref<!tpu.dma_semaphore, #tpu.memory_space<semaphore_mem>>) src(%dma_wait3A_140 : memref<3328xi32, #tpu.memory_space<hbm>>) dst(%arg5 : memref<3328xi32, #tpu.memory_space<vmem>>)
      tpu.yield
    }) : () -> ()
    %barrier3A = arith.constant 0 : index
    tpu.barrier barrier_id(%barrier3A)
    %dma_start3A = arith.constant 0 : i32
    %dma_start3A_52 = arith.constant 0 : i32
    %dma_start3A_53 = arith.constant 0 : i32
    %dma_start3A_54 = arith.constant 0 : i32
    %dma_start3A_55 = tpu.memref_slice %arg7[%dma_start3A, %dma_start3A_53, %dma_start3A_54] : memref<3x256x128xf32, #tpu.memory_space<vmem>> -> memref<1x8x128xf32, #tpu.memory_space<vmem>>
    %dma_start3A_56 = tpu.memref_squeeze %dma_start3A_55 : memref<1x8x128xf32, #tpu.memory_space<vmem>> -> memref<8x128xf32, #tpu.memory_space<vmem>>
    %dma_start3A_57 = arith.constant 0 : i32
    %dma_start3A_58 = tpu.memref_slice %arg5[%dma_start3A_57] : memref<3328xi32, #tpu.memory_space<vmem>> -> memref<8xi32, #tpu.memory_space<vmem>>
    %dma_start3A_59 = arith.constant 0 : i32
    %dma_start3A_60 = arith.constant 0 : i32
    %dma_start3A_61 = tpu.memref_slice %arg8[%dma_start3A_59, %dma_start3A_60] : memref<120x128xf32, #tpu.memory_space<vmem_shared>> -> memref<120x128xf32, #tpu.memory_space<vmem_shared>>
    %dma_start3A_62 = tpu.memref_slice %arg9[%dma_start3A_52] : memref<3x!tpu.dma_semaphore, #tpu.memory_space<semaphore_mem>> -> memref<1x!tpu.dma_semaphore, #tpu.memory_space<semaphore_mem>>
    %dma_start3A_63 = tpu.memref_squeeze %dma_start3A_62 : memref<1x!tpu.dma_semaphore, #tpu.memory_space<semaphore_mem>> -> memref<!tpu.dma_semaphore, #tpu.memory_space<semaphore_mem>>
    tpu.enqueue_indirect_dma source(%dma_start3A_61 : memref<120x128xf32, #tpu.memory_space<vmem_shared>>) target(%dma_start3A_56 : memref<8x128xf32, #tpu.memory_space<vmem>>) offsets(%dma_start3A_58 : memref<8xi32, #tpu.memory_space<vmem>>) semaphore(%dma_start3A_63 : memref<!tpu.dma_semaphore, #tpu.memory_space<semaphore_mem>>)
    %dma_start3A_64 = arith.constant 0 : i32
    %dma_start3A_65 = arith.constant 0 : i32
    %dma_start3A_66 = arith.constant 128 : i32
    %dma_start3A_67 = arith.constant 0 : i32
    %dma_start3A_68 = tpu.memref_slice %arg7[%dma_start3A_64, %dma_start3A_66, %dma_start3A_67] : memref<3x256x128xf32, #tpu.memory_space<vmem>> -> memref<1x8x128xf32, #tpu.memory_space<vmem>>
    %dma_start3A_69 = tpu.memref_squeeze %dma_start3A_68 : memref<1x8x128xf32, #tpu.memory_space<vmem>> -> memref<8x128xf32, #tpu.memory_space<vmem>>
    %dma_start3A_70 = arith.constant 128 : i32
    %dma_start3A_71 = tpu.memref_slice %arg5[%dma_start3A_70] : memref<3328xi32, #tpu.memory_space<vmem>> -> memref<8xi32, #tpu.memory_space<vmem>>
    %dma_start3A_72 = arith.constant 0 : i32
    %dma_start3A_73 = arith.constant 0 : i32
    %dma_start3A_74 = tpu.memref_slice %arg8[%dma_start3A_72, %dma_start3A_73] : memref<120x128xf32, #tpu.memory_space<vmem_shared>> -> memref<120x128xf32, #tpu.memory_space<vmem_shared>>
    %dma_start3A_75 = tpu.memref_slice %arg9[%dma_start3A_65] : memref<3x!tpu.dma_semaphore, #tpu.memory_space<semaphore_mem>> -> memref<1x!tpu.dma_semaphore, #tpu.memory_space<semaphore_mem>>
    %dma_start3A_76 = tpu.memref_squeeze %dma_start3A_75 : memref<1x!tpu.dma_semaphore, #tpu.memory_space<semaphore_mem>> -> memref<!tpu.dma_semaphore, #tpu.memory_space<semaphore_mem>>
    tpu.enqueue_indirect_dma source(%dma_start3A_74 : memref<120x128xf32, #tpu.memory_space<vmem_shared>>) target(%dma_start3A_69 : memref<8x128xf32, #tpu.memory_space<vmem>>) offsets(%dma_start3A_71 : memref<8xi32, #tpu.memory_space<vmem>>) semaphore(%dma_start3A_76 : memref<!tpu.dma_semaphore, #tpu.memory_space<semaphore_mem>>)
    %gt3A = arith.constant 1 : i32
    %gt3A_77 = arith.cmpi sgt, %sub3A_47, %gt3A : i32
    %convert_element_type3A_78 = arith.extui %gt3A_77 : i1 to i32
    %cond3A_79 = arith.constant 0 : i32
    %cond3A_80 = arith.cmpi ne, %convert_element_type3A_78, %cond3A_79 : i32
    scf.if %cond3A_80 {
      %dma_start3A_137 = arith.constant 1 : i32
      %dma_start3A_138 = arith.constant 1 : i32
      %dma_start3A_139 = arith.constant 0 : i32
      %dma_start3A_140 = arith.constant 0 : i32
      %dma_start3A_141 = tpu.memref_slice %arg7[%dma_start3A_137, %dma_start3A_139, %dma_start3A_140] : memref<3x256x128xf32, #tpu.memory_space<vmem>> -> memref<1x8x128xf32, #tpu.memory_space<vmem>>
      %dma_start3A_142 = tpu.memref_squeeze %dma_start3A_141 : memref<1x8x128xf32, #tpu.memory_space<vmem>> -> memref<8x128xf32, #tpu.memory_space<vmem>>
      %dma_start3A_143 = arith.constant 256 : i32
      %dma_start3A_144 = tpu.memref_slice %arg5[%dma_start3A_143] : memref<3328xi32, #tpu.memory_space<vmem>> -> memref<8xi32, #tpu.memory_space<vmem>>
      %dma_start3A_145 = arith.constant 0 : i32
      %dma_start3A_146 = arith.constant 0 : i32
      %dma_start3A_147 = tpu.memref_slice %arg8[%dma_start3A_145, %dma_start3A_146] : memref<120x128xf32, #tpu.memory_space<vmem_shared>> -> memref<120x128xf32, #tpu.memory_space<vmem_shared>>
      %dma_start3A_148 = tpu.memref_slice %arg9[%dma_start3A_138] : memref<3x!tpu.dma_semaphore, #tpu.memory_space<semaphore_mem>> -> memref<1x!tpu.dma_semaphore, #tpu.memory_space<semaphore_mem>>
      %dma_start3A_149 = tpu.memref_squeeze %dma_start3A_148 : memref<1x!tpu.dma_semaphore, #tpu.memory_space<semaphore_mem>> -> memref<!tpu.dma_semaphore, #tpu.memory_space<semaphore_mem>>
      tpu.enqueue_indirect_dma source(%dma_start3A_147 : memref<120x128xf32, #tpu.memory_space<vmem_shared>>) target(%dma_start3A_142 : memref<8x128xf32, #tpu.memory_space<vmem>>) offsets(%dma_start3A_144 : memref<8xi32, #tpu.memory_space<vmem>>) semaphore(%dma_start3A_149 : memref<!tpu.dma_semaphore, #tpu.memory_space<semaphore_mem>>)
      %dma_start3A_150 = arith.constant 1 : i32
      %dma_start3A_151 = arith.constant 1 : i32
      %dma_start3A_152 = arith.constant 128 : i32
      %dma_start3A_153 = arith.constant 0 : i32
      %dma_start3A_154 = tpu.memref_slice %arg7[%dma_start3A_150, %dma_start3A_152, %dma_start3A_153] : memref<3x256x128xf32, #tpu.memory_space<vmem>> -> memref<1x8x128xf32, #tpu.memory_space<vmem>>
      %dma_start3A_155 = tpu.memref_squeeze %dma_start3A_154 : memref<1x8x128xf32, #tpu.memory_space<vmem>> -> memref<8x128xf32, #tpu.memory_space<vmem>>
      %dma_start3A_156 = arith.constant 384 : i32
      %dma_start3A_157 = tpu.memref_slice %arg5[%dma_start3A_156] : memref<3328xi32, #tpu.memory_space<vmem>> -> memref<8xi32, #tpu.memory_space<vmem>>
      %dma_start3A_158 = arith.constant 0 : i32
      %dma_start3A_159 = arith.constant 0 : i32
      %dma_start3A_160 = tpu.memref_slice %arg8[%dma_start3A_158, %dma_start3A_159] : memref<120x128xf32, #tpu.memory_space<vmem_shared>> -> memref<120x128xf32, #tpu.memory_space<vmem_shared>>
      %dma_start3A_161 = tpu.memref_slice %arg9[%dma_start3A_151] : memref<3x!tpu.dma_semaphore, #tpu.memory_space<semaphore_mem>> -> memref<1x!tpu.dma_semaphore, #tpu.memory_space<semaphore_mem>>
      %dma_start3A_162 = tpu.memref_squeeze %dma_start3A_161 : memref<1x!tpu.dma_semaphore, #tpu.memory_space<semaphore_mem>> -> memref<!tpu.dma_semaphore, #tpu.memory_space<semaphore_mem>>
      tpu.enqueue_indirect_dma source(%dma_start3A_160 : memref<120x128xf32, #tpu.memory_space<vmem_shared>>) target(%dma_start3A_155 : memref<8x128xf32, #tpu.memory_space<vmem>>) offsets(%dma_start3A_157 : memref<8xi32, #tpu.memory_space<vmem>>) semaphore(%dma_start3A_162 : memref<!tpu.dma_semaphore, #tpu.memory_space<semaphore_mem>>)
    } else {
    }
    %while3A = arith.constant 0 : i32
    %while3A_81 = arith.constant 0 : i32
    %while3A_82 = arith.subi %sub3A_47, %while3A_81 : i32
    %while3A_83 = arith.addi %while3A_81, %while3A_82 : i32
    %while3A_84 = arith.constant 1 : i32
    %while3A_85 = arith.divsi %while3A_82, %while3A_84 : i32
    %while3A_86 = arith.muli %while3A_85, %while3A_84 : i32
    %while3A_87 = arith.addi %while3A_81, %while3A_86 : i32
    %while3A_88 = arith.constant 1 : i32
    scf.for %while3A_137 = %while3A_81 to %while3A_87 step %while3A_88  : i32 {
      %jit3A_138 = arith.constant 3 : i32
      %eq3A_139 = arith.constant 0 : i32
      %eq3A_140 = arith.cmpi eq, %jit3A_138, %eq3A_139 : i32
      %jit3A_141 = arith.constant 1 : i32
      %select_n3A_142 = arith.select %eq3A_140, %jit3A_141, %jit3A_138 : i32
      %rem3A_143 = arith.remsi %while3A_137, %select_n3A_142 : i32
      %ne3A_144 = arith.constant 0 : i32
      %ne3A_145 = arith.cmpi ne, %rem3A_143, %ne3A_144 : i32
      %lt3A_146 = arith.constant 0 : i32
      %lt3A_147 = arith.cmpi slt, %rem3A_143, %lt3A_146 : i32
      %lt3A_148 = arith.constant 0 : i32
      %lt3A_149 = arith.cmpi slt, %select_n3A_142, %lt3A_148 : i32
      %ne3A_150 = arith.xori %lt3A_147, %lt3A_149 : i1
      %and3A_151 = arith.andi %ne3A_150, %ne3A_145 : i1
      %add3A_152 = arith.addi %rem3A_143, %select_n3A_142 : i32
      %select_n3A_153 = arith.select %and3A_151, %add3A_152, %rem3A_143 : i32
      %jit3A_154 = arith.constant 3 : i32
      %eq3A_155 = arith.constant 0 : i32
      %eq3A_156 = arith.cmpi eq, %jit3A_154, %eq3A_155 : i32
      %jit3A_157 = arith.constant 1 : i32
      %select_n3A_158 = arith.select %eq3A_156, %jit3A_157, %jit3A_154 : i32
      %rem3A_159 = arith.remsi %while3A_137, %select_n3A_158 : i32
      %ne3A_160 = arith.constant 0 : i32
      %ne3A_161 = arith.cmpi ne, %rem3A_159, %ne3A_160 : i32
      %lt3A_162 = arith.constant 0 : i32
      %lt3A_163 = arith.cmpi slt, %rem3A_159, %lt3A_162 : i32
      %lt3A_164 = arith.constant 0 : i32
      %lt3A_165 = arith.cmpi slt, %select_n3A_158, %lt3A_164 : i32
      %ne3A_166 = arith.xori %lt3A_163, %lt3A_165 : i1
      %and3A_167 = arith.andi %ne3A_166, %ne3A_161 : i1
      %add3A_168 = arith.addi %rem3A_159, %select_n3A_158 : i32
      %select_n3A_169 = arith.select %and3A_167, %add3A_168, %rem3A_159 : i32
      %dma_wait3A_170 = arith.constant 0 : i32
      %dma_wait3A_171 = arith.constant 0 : i32
      %dma_wait3A_172 = tpu.memref_slice %arg7[%select_n3A_169, %dma_wait3A_170, %dma_wait3A_171] : memref<3x256x128xf32, #tpu.memory_space<vmem>> -> memref<1x8x128xf32, #tpu.memory_space<vmem>>
      %dma_wait3A_173 = tpu.memref_squeeze %dma_wait3A_172 : memref<1x8x128xf32, #tpu.memory_space<vmem>> -> memref<8x128xf32, #tpu.memory_space<vmem>>
      %dma_wait3A_174 = arith.constant 0 : i32
      %dma_wait3A_175 = arith.constant 0 : i32
      %dma_wait3A_176 = tpu.memref_slice %arg4[%dma_wait3A_174, %dma_wait3A_175] : memref<100000x128xf32, #tpu.memory_space<hbm>> -> memref<8x128xf32, #tpu.memory_space<hbm>>
      %dma_wait3A_177 = tpu.memref_slice %arg9[%select_n3A_169] : memref<3x!tpu.dma_semaphore, #tpu.memory_space<semaphore_mem>> -> memref<1x!tpu.dma_semaphore, #tpu.memory_space<semaphore_mem>>
      %dma_wait3A_178 = tpu.memref_squeeze %dma_wait3A_177 : memref<1x!tpu.dma_semaphore, #tpu.memory_space<semaphore_mem>> -> memref<!tpu.dma_semaphore, #tpu.memory_space<semaphore_mem>>
      %dma_wait3A_179 = arith.constant 0 : i32
      %dma_wait3A_180 = arith.constant 0 : i32
      %dma_wait3A_181 = tpu.memref_slice %arg7[%select_n3A_169, %dma_wait3A_179, %dma_wait3A_180] : memref<3x256x128xf32, #tpu.memory_space<vmem>> -> memref<1x8x128xf32, #tpu.memory_space<vmem>>
      %dma_wait3A_182 = tpu.memref_squeeze %dma_wait3A_181 : memref<1x8x128xf32, #tpu.memory_space<vmem>> -> memref<8x128xf32, #tpu.memory_space<vmem>>
      %dma_wait3A_183 = arith.constant 0 : i32
      %dma_wait3A_184 = arith.constant 0 : i32
      %dma_wait3A_185 = tpu.memref_slice %arg4[%dma_wait3A_183, %dma_wait3A_184] : memref<100000x128xf32, #tpu.memory_space<hbm>> -> memref<8x128xf32, #tpu.memory_space<hbm>>
      tpu.wait_dma2 semaphore(%dma_wait3A_178 : memref<!tpu.dma_semaphore, #tpu.memory_space<semaphore_mem>>) src(%dma_wait3A_185 : memref<8x128xf32, #tpu.memory_space<hbm>>) dst(%dma_wait3A_182 : memref<8x128xf32, #tpu.memory_space<vmem>>)
      %dma_wait3A_186 = arith.constant 0 : i32
      %dma_wait3A_187 = arith.constant 0 : i32
      %dma_wait3A_188 = tpu.memref_slice %arg7[%select_n3A_169, %dma_wait3A_186, %dma_wait3A_187] : memref<3x256x128xf32, #tpu.memory_space<vmem>> -> memref<1x8x128xf32, #tpu.memory_space<vmem>>
      %dma_wait3A_189 = tpu.memref_squeeze %dma_wait3A_188 : memref<1x8x128xf32, #tpu.memory_space<vmem>> -> memref<8x128xf32, #tpu.memory_space<vmem>>
      %dma_wait3A_190 = arith.constant 0 : i32
      %dma_wait3A_191 = arith.constant 0 : i32
      %dma_wait3A_192 = tpu.memref_slice %arg4[%dma_wait3A_190, %dma_wait3A_191] : memref<100000x128xf32, #tpu.memory_space<hbm>> -> memref<8x128xf32, #tpu.memory_space<hbm>>
      %dma_wait3A_193 = tpu.memref_slice %arg9[%select_n3A_169] : memref<3x!tpu.dma_semaphore, #tpu.memory_space<semaphore_mem>> -> memref<1x!tpu.dma_semaphore, #tpu.memory_space<semaphore_mem>>
      %dma_wait3A_194 = tpu.memref_squeeze %dma_wait3A_193 : memref<1x!tpu.dma_semaphore, #tpu.memory_space<semaphore_mem>> -> memref<!tpu.dma_semaphore, #tpu.memory_space<semaphore_mem>>
      %dma_wait3A_195 = arith.constant 0 : i32
      %dma_wait3A_196 = arith.constant 0 : i32
      %dma_wait3A_197 = tpu.memref_slice %arg7[%select_n3A_169, %dma_wait3A_195, %dma_wait3A_196] : memref<3x256x128xf32, #tpu.memory_space<vmem>> -> memref<1x8x128xf32, #tpu.memory_space<vmem>>
      %dma_wait3A_198 = tpu.memref_squeeze %dma_wait3A_197 : memref<1x8x128xf32, #tpu.memory_space<vmem>> -> memref<8x128xf32, #tpu.memory_space<vmem>>
      %dma_wait3A_199 = arith.constant 0 : i32
      %dma_wait3A_200 = arith.constant 0 : i32
      %dma_wait3A_201 = tpu.memref_slice %arg4[%dma_wait3A_199, %dma_wait3A_200] : memref<100000x128xf32, #tpu.memory_space<hbm>> -> memref<8x128xf32, #tpu.memory_space<hbm>>
      tpu.wait_dma2 semaphore(%dma_wait3A_194 : memref<!tpu.dma_semaphore, #tpu.memory_space<semaphore_mem>>) src(%dma_wait3A_201 : memref<8x128xf32, #tpu.memory_space<hbm>>) dst(%dma_wait3A_198 : memref<8x128xf32, #tpu.memory_space<vmem>>)
      %add3A_202 = arith.addi %select_n3A, %while3A_137 : i32
      %mul3A_203 = arith.constant 256 : i32
      %mul3A_204 = arith.muli %add3A_202, %mul3A_203 : i32
      %dma_start3A_205 = arith.constant 0 : i32
      %dma_start3A_206 = arith.constant 0 : i32
      %dma_start3A_207 = tpu.memref_slice %arg7[%select_n3A_153, %dma_start3A_205, %dma_start3A_206] : memref<3x256x128xf32, #tpu.memory_space<vmem>> -> memref<1x256x128xf32, #tpu.memory_space<vmem>>
      %dma_start3A_208 = tpu.memref_squeeze %dma_start3A_207 : memref<1x256x128xf32, #tpu.memory_space<vmem>> -> memref<256x128xf32, #tpu.memory_space<vmem>>
      %dma_start3A_209 = arith.constant 0 : i32
      %dma_start3A_210 = tpu.memref_slice %arg4[%mul3A_204, %dma_start3A_209] : memref<100000x128xf32, #tpu.memory_space<hbm>> -> memref<256x128xf32, #tpu.memory_space<hbm>>
      %dma_start3A_211 = tpu.memref_slice %arg10[%select_n3A_153] : memref<3x!tpu.dma_semaphore, #tpu.memory_space<semaphore_mem>> -> memref<1x!tpu.dma_semaphore, #tpu.memory_space<semaphore_mem>>
      %dma_start3A_212 = tpu.memref_squeeze %dma_start3A_211 : memref<1x!tpu.dma_semaphore, #tpu.memory_space<semaphore_mem>> -> memref<!tpu.dma_semaphore, #tpu.memory_space<semaphore_mem>>
      %dma_start3A_213 = arith.constant 0 : i32
      %dma_start3A_214 = tpu.memref_slice %arg4[%mul3A_204, %dma_start3A_213] : memref<100000x128xf32, #tpu.memory_space<hbm>> -> memref<256x128xf32, #tpu.memory_space<hbm>>
      %dma_start3A_215 = arith.constant 0 : i32
      %dma_start3A_216 = arith.constant 0 : i32
      %dma_start3A_217 = tpu.memref_slice %arg7[%select_n3A_153, %dma_start3A_215, %dma_start3A_216] : memref<3x256x128xf32, #tpu.memory_space<vmem>> -> memref<1x256x128xf32, #tpu.memory_space<vmem>>
      %dma_start3A_218 = tpu.memref_squeeze %dma_start3A_217 : memref<1x256x128xf32, #tpu.memory_space<vmem>> -> memref<256x128xf32, #tpu.memory_space<vmem>>
      tpu.enqueue_dma source(%dma_start3A_218 : memref<256x128xf32, #tpu.memory_space<vmem>>) target(%dma_start3A_214 : memref<256x128xf32, #tpu.memory_space<hbm>>) target_semaphore(%dma_start3A_212 : memref<!tpu.dma_semaphore, #tpu.memory_space<semaphore_mem>>)
      %ge3A = arith.constant 1 : i32
      %ge3A_219 = arith.cmpi sge, %while3A_137, %ge3A : i32
      %add3A_220 = arith.constant 2 : i32
      %add3A_221 = arith.addi %while3A_137, %add3A_220 : i32
      %lt3A_222 = arith.cmpi slt, %add3A_221, %sub3A_47 : i32
      %and3A_223 = arith.andi %ge3A_219, %lt3A_222 : i1
      %convert_element_type3A_224 = arith.extui %and3A_223 : i1 to i32
      %cond3A_225 = arith.constant 0 : i32
      %cond3A_226 = arith.cmpi ne, %convert_element_type3A_224, %cond3A_225 : i32
      scf.if %cond3A_226 {
        %sub3A_233 = arith.constant 1 : i32
        %sub3A_234 = arith.subi %while3A_137, %sub3A_233 : i32
        %jit3A_235 = arith.constant 3 : i32
        %eq3A_236 = arith.constant 0 : i32
        %eq3A_237 = arith.cmpi eq, %jit3A_235, %eq3A_236 : i32
        %jit3A_238 = arith.constant 1 : i32
        %select_n3A_239 = arith.select %eq3A_237, %jit3A_238, %jit3A_235 : i32
        %rem3A_240 = arith.remsi %sub3A_234, %select_n3A_239 : i32
        %ne3A_241 = arith.constant 0 : i32
        %ne3A_242 = arith.cmpi ne, %rem3A_240, %ne3A_241 : i32
        %lt3A_243 = arith.constant 0 : i32
        %lt3A_244 = arith.cmpi slt, %rem3A_240, %lt3A_243 : i32
        %lt3A_245 = arith.constant 0 : i32
        %lt3A_246 = arith.cmpi slt, %select_n3A_239, %lt3A_245 : i32
        %ne3A_247 = arith.xori %lt3A_244, %lt3A_246 : i1
        %and3A_248 = arith.andi %ne3A_247, %ne3A_242 : i1
        %add3A_249 = arith.addi %rem3A_240, %select_n3A_239 : i32
        %select_n3A_250 = arith.select %and3A_248, %add3A_249, %rem3A_240 : i32
        %dma_wait3A_251 = arith.constant 0 : i32
        %dma_wait3A_252 = arith.constant 0 : i32
        %dma_wait3A_253 = tpu.memref_slice %arg7[%select_n3A_250, %dma_wait3A_251, %dma_wait3A_252] : memref<3x256x128xf32, #tpu.memory_space<vmem>> -> memref<1x256x128xf32, #tpu.memory_space<vmem>>
        %dma_wait3A_254 = tpu.memref_squeeze %dma_wait3A_253 : memref<1x256x128xf32, #tpu.memory_space<vmem>> -> memref<256x128xf32, #tpu.memory_space<vmem>>
        %dma_wait3A_255 = arith.constant 0 : i32
        %dma_wait3A_256 = arith.constant 0 : i32
        %dma_wait3A_257 = tpu.memref_slice %arg4[%dma_wait3A_255, %dma_wait3A_256] : memref<100000x128xf32, #tpu.memory_space<hbm>> -> memref<256x128xf32, #tpu.memory_space<hbm>>
        %dma_wait3A_258 = tpu.memref_slice %arg10[%select_n3A_250] : memref<3x!tpu.dma_semaphore, #tpu.memory_space<semaphore_mem>> -> memref<1x!tpu.dma_semaphore, #tpu.memory_space<semaphore_mem>>
        %dma_wait3A_259 = tpu.memref_squeeze %dma_wait3A_258 : memref<1x!tpu.dma_semaphore, #tpu.memory_space<semaphore_mem>> -> memref<!tpu.dma_semaphore, #tpu.memory_space<semaphore_mem>>
        %dma_wait3A_260 = arith.constant 0 : i32
        %dma_wait3A_261 = arith.constant 0 : i32
        %dma_wait3A_262 = tpu.memref_slice %arg4[%dma_wait3A_260, %dma_wait3A_261] : memref<100000x128xf32, #tpu.memory_space<hbm>> -> memref<256x128xf32, #tpu.memory_space<hbm>>
        %dma_wait3A_263 = arith.constant 0 : i32
        %dma_wait3A_264 = arith.constant 0 : i32
        %dma_wait3A_265 = tpu.memref_slice %arg7[%select_n3A_250, %dma_wait3A_263, %dma_wait3A_264] : memref<3x256x128xf32, #tpu.memory_space<vmem>> -> memref<1x256x128xf32, #tpu.memory_space<vmem>>
        %dma_wait3A_266 = tpu.memref_squeeze %dma_wait3A_265 : memref<1x256x128xf32, #tpu.memory_space<vmem>> -> memref<256x128xf32, #tpu.memory_space<vmem>>
        tpu.wait_dma2 semaphore(%dma_wait3A_259 : memref<!tpu.dma_semaphore, #tpu.memory_space<semaphore_mem>>) src(%dma_wait3A_266 : memref<256x128xf32, #tpu.memory_space<vmem>>) dst(%dma_wait3A_262 : memref<256x128xf32, #tpu.memory_space<hbm>>)
      } else {
      }
      %add3A_227 = arith.constant 2 : i32
      %add3A_228 = arith.addi %while3A_137, %add3A_227 : i32
      %lt3A_229 = arith.cmpi slt, %add3A_228, %sub3A_47 : i32
      %convert_element_type3A_230 = arith.extui %lt3A_229 : i1 to i32
      %cond3A_231 = arith.constant 0 : i32
      %cond3A_232 = arith.cmpi ne, %convert_element_type3A_230, %cond3A_231 : i32
      scf.if %cond3A_232 {
        %add3A_233 = arith.constant 2 : i32
        %add3A_234 = arith.addi %while3A_137, %add3A_233 : i32
        %jit3A_235 = arith.constant 3 : i32
        %eq3A_236 = arith.constant 0 : i32
        %eq3A_237 = arith.cmpi eq, %jit3A_235, %eq3A_236 : i32
        %jit3A_238 = arith.constant 1 : i32
        %select_n3A_239 = arith.select %eq3A_237, %jit3A_238, %jit3A_235 : i32
        %rem3A_240 = arith.remsi %add3A_234, %select_n3A_239 : i32
        %ne3A_241 = arith.constant 0 : i32
        %ne3A_242 = arith.cmpi ne, %rem3A_240, %ne3A_241 : i32
        %lt3A_243 = arith.constant 0 : i32
        %lt3A_244 = arith.cmpi slt, %rem3A_240, %lt3A_243 : i32
        %lt3A_245 = arith.constant 0 : i32
        %lt3A_246 = arith.cmpi slt, %select_n3A_239, %lt3A_245 : i32
        %ne3A_247 = arith.xori %lt3A_244, %lt3A_246 : i1
        %and3A_248 = arith.andi %ne3A_247, %ne3A_242 : i1
        %add3A_249 = arith.addi %rem3A_240, %select_n3A_239 : i32
        %select_n3A_250 = arith.select %and3A_248, %add3A_249, %rem3A_240 : i32
        %mul3A_251 = arith.constant 256 : i32
        %mul3A_252 = arith.muli %add3A_234, %mul3A_251 : i32
        %add3A_253 = arith.constant 0 : i32
        %add3A_254 = arith.addi %mul3A_252, %add3A_253 : i32
        %dma_start3A_255 = arith.constant 0 : i32
        %dma_start3A_256 = arith.constant 0 : i32
        %dma_start3A_257 = tpu.memref_slice %arg7[%select_n3A_250, %dma_start3A_255, %dma_start3A_256] : memref<3x256x128xf32, #tpu.memory_space<vmem>> -> memref<1x8x128xf32, #tpu.memory_space<vmem>>
        %dma_start3A_258 = tpu.memref_squeeze %dma_start3A_257 : memref<1x8x128xf32, #tpu.memory_space<vmem>> -> memref<8x128xf32, #tpu.memory_space<vmem>>
        %dma_start3A_259 = tpu.memref_slice %arg5[%add3A_254] : memref<3328xi32, #tpu.memory_space<vmem>> -> memref<8xi32, #tpu.memory_space<vmem>>
        %dma_start3A_260 = arith.constant 0 : i32
        %dma_start3A_261 = arith.constant 0 : i32
        %dma_start3A_262 = tpu.memref_slice %arg8[%dma_start3A_260, %dma_start3A_261] : memref<120x128xf32, #tpu.memory_space<vmem_shared>> -> memref<120x128xf32, #tpu.memory_space<vmem_shared>>
        %dma_start3A_263 = tpu.memref_slice %arg9[%select_n3A_250] : memref<3x!tpu.dma_semaphore, #tpu.memory_space<semaphore_mem>> -> memref<1x!tpu.dma_semaphore, #tpu.memory_space<semaphore_mem>>
        %dma_start3A_264 = tpu.memref_squeeze %dma_start3A_263 : memref<1x!tpu.dma_semaphore, #tpu.memory_space<semaphore_mem>> -> memref<!tpu.dma_semaphore, #tpu.memory_space<semaphore_mem>>
        tpu.enqueue_indirect_dma source(%dma_start3A_262 : memref<120x128xf32, #tpu.memory_space<vmem_shared>>) target(%dma_start3A_258 : memref<8x128xf32, #tpu.memory_space<vmem>>) offsets(%dma_start3A_259 : memref<8xi32, #tpu.memory_space<vmem>>) semaphore(%dma_start3A_264 : memref<!tpu.dma_semaphore, #tpu.memory_space<semaphore_mem>>)
        %mul3A_265 = arith.constant 256 : i32
        %mul3A_266 = arith.muli %add3A_234, %mul3A_265 : i32
        %add3A_267 = arith.constant 128 : i32
        %add3A_268 = arith.addi %mul3A_266, %add3A_267 : i32
        %dma_start3A_269 = arith.constant 128 : i32
        %dma_start3A_270 = arith.constant 0 : i32
        %dma_start3A_271 = tpu.memref_slice %arg7[%select_n3A_250, %dma_start3A_269, %dma_start3A_270] : memref<3x256x128xf32, #tpu.memory_space<vmem>> -> memref<1x8x128xf32, #tpu.memory_space<vmem>>
        %dma_start3A_272 = tpu.memref_squeeze %dma_start3A_271 : memref<1x8x128xf32, #tpu.memory_space<vmem>> -> memref<8x128xf32, #tpu.memory_space<vmem>>
        %dma_start3A_273 = tpu.memref_slice %arg5[%add3A_268] : memref<3328xi32, #tpu.memory_space<vmem>> -> memref<8xi32, #tpu.memory_space<vmem>>
        %dma_start3A_274 = arith.constant 0 : i32
        %dma_start3A_275 = arith.constant 0 : i32
        %dma_start3A_276 = tpu.memref_slice %arg8[%dma_start3A_274, %dma_start3A_275] : memref<120x128xf32, #tpu.memory_space<vmem_shared>> -> memref<120x128xf32, #tpu.memory_space<vmem_shared>>
        %dma_start3A_277 = tpu.memref_slice %arg9[%select_n3A_250] : memref<3x!tpu.dma_semaphore, #tpu.memory_space<semaphore_mem>> -> memref<1x!tpu.dma_semaphore, #tpu.memory_space<semaphore_mem>>
        %dma_start3A_278 = tpu.memref_squeeze %dma_start3A_277 : memref<1x!tpu.dma_semaphore, #tpu.memory_space<semaphore_mem>> -> memref<!tpu.dma_semaphore, #tpu.memory_space<semaphore_mem>>
        tpu.enqueue_indirect_dma source(%dma_start3A_276 : memref<120x128xf32, #tpu.memory_space<vmem_shared>>) target(%dma_start3A_272 : memref<8x128xf32, #tpu.memory_space<vmem>>) offsets(%dma_start3A_273 : memref<8xi32, #tpu.memory_space<vmem>>) semaphore(%dma_start3A_278 : memref<!tpu.dma_semaphore, #tpu.memory_space<semaphore_mem>>)
      } else {
      }
    }
    %while3A_89 = arith.constant 1 : i32
    scf.for %while3A_137 = %while3A_87 to %while3A_83 step %while3A_89  : i32 {
      %jit3A_138 = arith.constant 3 : i32
      %eq3A_139 = arith.constant 0 : i32
      %eq3A_140 = arith.cmpi eq, %jit3A_138, %eq3A_139 : i32
      %jit3A_141 = arith.constant 1 : i32
      %select_n3A_142 = arith.select %eq3A_140, %jit3A_141, %jit3A_138 : i32
      %rem3A_143 = arith.remsi %while3A_137, %select_n3A_142 : i32
      %ne3A_144 = arith.constant 0 : i32
      %ne3A_145 = arith.cmpi ne, %rem3A_143, %ne3A_144 : i32
      %lt3A_146 = arith.constant 0 : i32
      %lt3A_147 = arith.cmpi slt, %rem3A_143, %lt3A_146 : i32
      %lt3A_148 = arith.constant 0 : i32
      %lt3A_149 = arith.cmpi slt, %select_n3A_142, %lt3A_148 : i32
      %ne3A_150 = arith.xori %lt3A_147, %lt3A_149 : i1
      %and3A_151 = arith.andi %ne3A_150, %ne3A_145 : i1
      %add3A_152 = arith.addi %rem3A_143, %select_n3A_142 : i32
      %select_n3A_153 = arith.select %and3A_151, %add3A_152, %rem3A_143 : i32
      %jit3A_154 = arith.constant 3 : i32
      %eq3A_155 = arith.constant 0 : i32
      %eq3A_156 = arith.cmpi eq, %jit3A_154, %eq3A_155 : i32
      %jit3A_157 = arith.constant 1 : i32
      %select_n3A_158 = arith.select %eq3A_156, %jit3A_157, %jit3A_154 : i32
      %rem3A_159 = arith.remsi %while3A_137, %select_n3A_158 : i32
      %ne3A_160 = arith.constant 0 : i32
      %ne3A_161 = arith.cmpi ne, %rem3A_159, %ne3A_160 : i32
      %lt3A_162 = arith.constant 0 : i32
      %lt3A_163 = arith.cmpi slt, %rem3A_159, %lt3A_162 : i32
      %lt3A_164 = arith.constant 0 : i32
      %lt3A_165 = arith.cmpi slt, %select_n3A_158, %lt3A_164 : i32
      %ne3A_166 = arith.xori %lt3A_163, %lt3A_165 : i1
      %and3A_167 = arith.andi %ne3A_166, %ne3A_161 : i1
      %add3A_168 = arith.addi %rem3A_159, %select_n3A_158 : i32
      %select_n3A_169 = arith.select %and3A_167, %add3A_168, %rem3A_159 : i32
      %dma_wait3A_170 = arith.constant 0 : i32
      %dma_wait3A_171 = arith.constant 0 : i32
      %dma_wait3A_172 = tpu.memref_slice %arg7[%select_n3A_169, %dma_wait3A_170, %dma_wait3A_171] : memref<3x256x128xf32, #tpu.memory_space<vmem>> -> memref<1x8x128xf32, #tpu.memory_space<vmem>>
      %dma_wait3A_173 = tpu.memref_squeeze %dma_wait3A_172 : memref<1x8x128xf32, #tpu.memory_space<vmem>> -> memref<8x128xf32, #tpu.memory_space<vmem>>
      %dma_wait3A_174 = arith.constant 0 : i32
      %dma_wait3A_175 = arith.constant 0 : i32
      %dma_wait3A_176 = tpu.memref_slice %arg4[%dma_wait3A_174, %dma_wait3A_175] : memref<100000x128xf32, #tpu.memory_space<hbm>> -> memref<8x128xf32, #tpu.memory_space<hbm>>
      %dma_wait3A_177 = tpu.memref_slice %arg9[%select_n3A_169] : memref<3x!tpu.dma_semaphore, #tpu.memory_space<semaphore_mem>> -> memref<1x!tpu.dma_semaphore, #tpu.memory_space<semaphore_mem>>
      %dma_wait3A_178 = tpu.memref_squeeze %dma_wait3A_177 : memref<1x!tpu.dma_semaphore, #tpu.memory_space<semaphore_mem>> -> memref<!tpu.dma_semaphore, #tpu.memory_space<semaphore_mem>>
      %dma_wait3A_179 = arith.constant 0 : i32
      %dma_wait3A_180 = arith.constant 0 : i32
      %dma_wait3A_181 = tpu.memref_slice %arg7[%select_n3A_169, %dma_wait3A_179, %dma_wait3A_180] : memref<3x256x128xf32, #tpu.memory_space<vmem>> -> memref<1x8x128xf32, #tpu.memory_space<vmem>>
      %dma_wait3A_182 = tpu.memref_squeeze %dma_wait3A_181 : memref<1x8x128xf32, #tpu.memory_space<vmem>> -> memref<8x128xf32, #tpu.memory_space<vmem>>
      %dma_wait3A_183 = arith.constant 0 : i32
      %dma_wait3A_184 = arith.constant 0 : i32
      %dma_wait3A_185 = tpu.memref_slice %arg4[%dma_wait3A_183, %dma_wait3A_184] : memref<100000x128xf32, #tpu.memory_space<hbm>> -> memref<8x128xf32, #tpu.memory_space<hbm>>
      tpu.wait_dma2 semaphore(%dma_wait3A_178 : memref<!tpu.dma_semaphore, #tpu.memory_space<semaphore_mem>>) src(%dma_wait3A_185 : memref<8x128xf32, #tpu.memory_space<hbm>>) dst(%dma_wait3A_182 : memref<8x128xf32, #tpu.memory_space<vmem>>)
      %dma_wait3A_186 = arith.constant 0 : i32
      %dma_wait3A_187 = arith.constant 0 : i32
      %dma_wait3A_188 = tpu.memref_slice %arg7[%select_n3A_169, %dma_wait3A_186, %dma_wait3A_187] : memref<3x256x128xf32, #tpu.memory_space<vmem>> -> memref<1x8x128xf32, #tpu.memory_space<vmem>>
      %dma_wait3A_189 = tpu.memref_squeeze %dma_wait3A_188 : memref<1x8x128xf32, #tpu.memory_space<vmem>> -> memref<8x128xf32, #tpu.memory_space<vmem>>
      %dma_wait3A_190 = arith.constant 0 : i32
      %dma_wait3A_191 = arith.constant 0 : i32
      %dma_wait3A_192 = tpu.memref_slice %arg4[%dma_wait3A_190, %dma_wait3A_191] : memref<100000x128xf32, #tpu.memory_space<hbm>> -> memref<8x128xf32, #tpu.memory_space<hbm>>
      %dma_wait3A_193 = tpu.memref_slice %arg9[%select_n3A_169] : memref<3x!tpu.dma_semaphore, #tpu.memory_space<semaphore_mem>> -> memref<1x!tpu.dma_semaphore, #tpu.memory_space<semaphore_mem>>
      %dma_wait3A_194 = tpu.memref_squeeze %dma_wait3A_193 : memref<1x!tpu.dma_semaphore, #tpu.memory_space<semaphore_mem>> -> memref<!tpu.dma_semaphore, #tpu.memory_space<semaphore_mem>>
      %dma_wait3A_195 = arith.constant 0 : i32
      %dma_wait3A_196 = arith.constant 0 : i32
      %dma_wait3A_197 = tpu.memref_slice %arg7[%select_n3A_169, %dma_wait3A_195, %dma_wait3A_196] : memref<3x256x128xf32, #tpu.memory_space<vmem>> -> memref<1x8x128xf32, #tpu.memory_space<vmem>>
      %dma_wait3A_198 = tpu.memref_squeeze %dma_wait3A_197 : memref<1x8x128xf32, #tpu.memory_space<vmem>> -> memref<8x128xf32, #tpu.memory_space<vmem>>
      %dma_wait3A_199 = arith.constant 0 : i32
      %dma_wait3A_200 = arith.constant 0 : i32
      %dma_wait3A_201 = tpu.memref_slice %arg4[%dma_wait3A_199, %dma_wait3A_200] : memref<100000x128xf32, #tpu.memory_space<hbm>> -> memref<8x128xf32, #tpu.memory_space<hbm>>
      tpu.wait_dma2 semaphore(%dma_wait3A_194 : memref<!tpu.dma_semaphore, #tpu.memory_space<semaphore_mem>>) src(%dma_wait3A_201 : memref<8x128xf32, #tpu.memory_space<hbm>>) dst(%dma_wait3A_198 : memref<8x128xf32, #tpu.memory_space<vmem>>)
      %add3A_202 = arith.addi %select_n3A, %while3A_137 : i32
      %mul3A_203 = arith.constant 256 : i32
      %mul3A_204 = arith.muli %add3A_202, %mul3A_203 : i32
      %dma_start3A_205 = arith.constant 0 : i32
      %dma_start3A_206 = arith.constant 0 : i32
      %dma_start3A_207 = tpu.memref_slice %arg7[%select_n3A_153, %dma_start3A_205, %dma_start3A_206] : memref<3x256x128xf32, #tpu.memory_space<vmem>> -> memref<1x256x128xf32, #tpu.memory_space<vmem>>
      %dma_start3A_208 = tpu.memref_squeeze %dma_start3A_207 : memref<1x256x128xf32, #tpu.memory_space<vmem>> -> memref<256x128xf32, #tpu.memory_space<vmem>>
      %dma_start3A_209 = arith.constant 0 : i32
      %dma_start3A_210 = tpu.memref_slice %arg4[%mul3A_204, %dma_start3A_209] : memref<100000x128xf32, #tpu.memory_space<hbm>> -> memref<256x128xf32, #tpu.memory_space<hbm>>
      %dma_start3A_211 = tpu.memref_slice %arg10[%select_n3A_153] : memref<3x!tpu.dma_semaphore, #tpu.memory_space<semaphore_mem>> -> memref<1x!tpu.dma_semaphore, #tpu.memory_space<semaphore_mem>>
      %dma_start3A_212 = tpu.memref_squeeze %dma_start3A_211 : memref<1x!tpu.dma_semaphore, #tpu.memory_space<semaphore_mem>> -> memref<!tpu.dma_semaphore, #tpu.memory_space<semaphore_mem>>
      %dma_start3A_213 = arith.constant 0 : i32
      %dma_start3A_214 = tpu.memref_slice %arg4[%mul3A_204, %dma_start3A_213] : memref<100000x128xf32, #tpu.memory_space<hbm>> -> memref<256x128xf32, #tpu.memory_space<hbm>>
      %dma_start3A_215 = arith.constant 0 : i32
      %dma_start3A_216 = arith.constant 0 : i32
      %dma_start3A_217 = tpu.memref_slice %arg7[%select_n3A_153, %dma_start3A_215, %dma_start3A_216] : memref<3x256x128xf32, #tpu.memory_space<vmem>> -> memref<1x256x128xf32, #tpu.memory_space<vmem>>
      %dma_start3A_218 = tpu.memref_squeeze %dma_start3A_217 : memref<1x256x128xf32, #tpu.memory_space<vmem>> -> memref<256x128xf32, #tpu.memory_space<vmem>>
      tpu.enqueue_dma source(%dma_start3A_218 : memref<256x128xf32, #tpu.memory_space<vmem>>) target(%dma_start3A_214 : memref<256x128xf32, #tpu.memory_space<hbm>>) target_semaphore(%dma_start3A_212 : memref<!tpu.dma_semaphore, #tpu.memory_space<semaphore_mem>>)
      %ge3A = arith.constant 1 : i32
      %ge3A_219 = arith.cmpi sge, %while3A_137, %ge3A : i32
      %add3A_220 = arith.constant 2 : i32
      %add3A_221 = arith.addi %while3A_137, %add3A_220 : i32
      %lt3A_222 = arith.cmpi slt, %add3A_221, %sub3A_47 : i32
      %and3A_223 = arith.andi %ge3A_219, %lt3A_222 : i1
      %convert_element_type3A_224 = arith.extui %and3A_223 : i1 to i32
      %cond3A_225 = arith.constant 0 : i32
      %cond3A_226 = arith.cmpi ne, %convert_element_type3A_224, %cond3A_225 : i32
      scf.if %cond3A_226 {
        %sub3A_233 = arith.constant 1 : i32
        %sub3A_234 = arith.subi %while3A_137, %sub3A_233 : i32
        %jit3A_235 = arith.constant 3 : i32
        %eq3A_236 = arith.constant 0 : i32
        %eq3A_237 = arith.cmpi eq, %jit3A_235, %eq3A_236 : i32
        %jit3A_238 = arith.constant 1 : i32
        %select_n3A_239 = arith.select %eq3A_237, %jit3A_238, %jit3A_235 : i32
        %rem3A_240 = arith.remsi %sub3A_234, %select_n3A_239 : i32
        %ne3A_241 = arith.constant 0 : i32
        %ne3A_242 = arith.cmpi ne, %rem3A_240, %ne3A_241 : i32
        %lt3A_243 = arith.constant 0 : i32
        %lt3A_244 = arith.cmpi slt, %rem3A_240, %lt3A_243 : i32
        %lt3A_245 = arith.constant 0 : i32
        %lt3A_246 = arith.cmpi slt, %select_n3A_239, %lt3A_245 : i32
        %ne3A_247 = arith.xori %lt3A_244, %lt3A_246 : i1
        %and3A_248 = arith.andi %ne3A_247, %ne3A_242 : i1
        %add3A_249 = arith.addi %rem3A_240, %select_n3A_239 : i32
        %select_n3A_250 = arith.select %and3A_248, %add3A_249, %rem3A_240 : i32
        %dma_wait3A_251 = arith.constant 0 : i32
        %dma_wait3A_252 = arith.constant 0 : i32
        %dma_wait3A_253 = tpu.memref_slice %arg7[%select_n3A_250, %dma_wait3A_251, %dma_wait3A_252] : memref<3x256x128xf32, #tpu.memory_space<vmem>> -> memref<1x256x128xf32, #tpu.memory_space<vmem>>
        %dma_wait3A_254 = tpu.memref_squeeze %dma_wait3A_253 : memref<1x256x128xf32, #tpu.memory_space<vmem>> -> memref<256x128xf32, #tpu.memory_space<vmem>>
        %dma_wait3A_255 = arith.constant 0 : i32
        %dma_wait3A_256 = arith.constant 0 : i32
        %dma_wait3A_257 = tpu.memref_slice %arg4[%dma_wait3A_255, %dma_wait3A_256] : memref<100000x128xf32, #tpu.memory_space<hbm>> -> memref<256x128xf32, #tpu.memory_space<hbm>>
        %dma_wait3A_258 = tpu.memref_slice %arg10[%select_n3A_250] : memref<3x!tpu.dma_semaphore, #tpu.memory_space<semaphore_mem>> -> memref<1x!tpu.dma_semaphore, #tpu.memory_space<semaphore_mem>>
        %dma_wait3A_259 = tpu.memref_squeeze %dma_wait3A_258 : memref<1x!tpu.dma_semaphore, #tpu.memory_space<semaphore_mem>> -> memref<!tpu.dma_semaphore, #tpu.memory_space<semaphore_mem>>
        %dma_wait3A_260 = arith.constant 0 : i32
        %dma_wait3A_261 = arith.constant 0 : i32
        %dma_wait3A_262 = tpu.memref_slice %arg4[%dma_wait3A_260, %dma_wait3A_261] : memref<100000x128xf32, #tpu.memory_space<hbm>> -> memref<256x128xf32, #tpu.memory_space<hbm>>
        %dma_wait3A_263 = arith.constant 0 : i32
        %dma_wait3A_264 = arith.constant 0 : i32
        %dma_wait3A_265 = tpu.memref_slice %arg7[%select_n3A_250, %dma_wait3A_263, %dma_wait3A_264] : memref<3x256x128xf32, #tpu.memory_space<vmem>> -> memref<1x256x128xf32, #tpu.memory_space<vmem>>
        %dma_wait3A_266 = tpu.memref_squeeze %dma_wait3A_265 : memref<1x256x128xf32, #tpu.memory_space<vmem>> -> memref<256x128xf32, #tpu.memory_space<vmem>>
        tpu.wait_dma2 semaphore(%dma_wait3A_259 : memref<!tpu.dma_semaphore, #tpu.memory_space<semaphore_mem>>) src(%dma_wait3A_266 : memref<256x128xf32, #tpu.memory_space<vmem>>) dst(%dma_wait3A_262 : memref<256x128xf32, #tpu.memory_space<hbm>>)
      } else {
      }
      %add3A_227 = arith.constant 2 : i32
      %add3A_228 = arith.addi %while3A_137, %add3A_227 : i32
      %lt3A_229 = arith.cmpi slt, %add3A_228, %sub3A_47 : i32
      %convert_element_type3A_230 = arith.extui %lt3A_229 : i1 to i32
      %cond3A_231 = arith.constant 0 : i32
      %cond3A_232 = arith.cmpi ne, %convert_element_type3A_230, %cond3A_231 : i32
      scf.if %cond3A_232 {
        %add3A_233 = arith.constant 2 : i32
        %add3A_234 = arith.addi %while3A_137, %add3A_233 : i32
        %jit3A_235 = arith.constant 3 : i32
        %eq3A_236 = arith.constant 0 : i32
        %eq3A_237 = arith.cmpi eq, %jit3A_235, %eq3A_236 : i32
        %jit3A_238 = arith.constant 1 : i32
        %select_n3A_239 = arith.select %eq3A_237, %jit3A_238, %jit3A_235 : i32
        %rem3A_240 = arith.remsi %add3A_234, %select_n3A_239 : i32
        %ne3A_241 = arith.constant 0 : i32
        %ne3A_242 = arith.cmpi ne, %rem3A_240, %ne3A_241 : i32
        %lt3A_243 = arith.constant 0 : i32
        %lt3A_244 = arith.cmpi slt, %rem3A_240, %lt3A_243 : i32
        %lt3A_245 = arith.constant 0 : i32
        %lt3A_246 = arith.cmpi slt, %select_n3A_239, %lt3A_245 : i32
        %ne3A_247 = arith.xori %lt3A_244, %lt3A_246 : i1
        %and3A_248 = arith.andi %ne3A_247, %ne3A_242 : i1
        %add3A_249 = arith.addi %rem3A_240, %select_n3A_239 : i32
        %select_n3A_250 = arith.select %and3A_248, %add3A_249, %rem3A_240 : i32
        %mul3A_251 = arith.constant 256 : i32
        %mul3A_252 = arith.muli %add3A_234, %mul3A_251 : i32
        %add3A_253 = arith.constant 0 : i32
        %add3A_254 = arith.addi %mul3A_252, %add3A_253 : i32
        %dma_start3A_255 = arith.constant 0 : i32
        %dma_start3A_256 = arith.constant 0 : i32
        %dma_start3A_257 = tpu.memref_slice %arg7[%select_n3A_250, %dma_start3A_255, %dma_start3A_256] : memref<3x256x128xf32, #tpu.memory_space<vmem>> -> memref<1x8x128xf32, #tpu.memory_space<vmem>>
        %dma_start3A_258 = tpu.memref_squeeze %dma_start3A_257 : memref<1x8x128xf32, #tpu.memory_space<vmem>> -> memref<8x128xf32, #tpu.memory_space<vmem>>
        %dma_start3A_259 = tpu.memref_slice %arg5[%add3A_254] : memref<3328xi32, #tpu.memory_space<vmem>> -> memref<8xi32, #tpu.memory_space<vmem>>
        %dma_start3A_260 = arith.constant 0 : i32
        %dma_start3A_261 = arith.constant 0 : i32
        %dma_start3A_262 = tpu.memref_slice %arg8[%dma_start3A_260, %dma_start3A_261] : memref<120x128xf32, #tpu.memory_space<vmem_shared>> -> memref<120x128xf32, #tpu.memory_space<vmem_shared>>
        %dma_start3A_263 = tpu.memref_slice %arg9[%select_n3A_250] : memref<3x!tpu.dma_semaphore, #tpu.memory_space<semaphore_mem>> -> memref<1x!tpu.dma_semaphore, #tpu.memory_space<semaphore_mem>>
        %dma_start3A_264 = tpu.memref_squeeze %dma_start3A_263 : memref<1x!tpu.dma_semaphore, #tpu.memory_space<semaphore_mem>> -> memref<!tpu.dma_semaphore, #tpu.memory_space<semaphore_mem>>
        tpu.enqueue_indirect_dma source(%dma_start3A_262 : memref<120x128xf32, #tpu.memory_space<vmem_shared>>) target(%dma_start3A_258 : memref<8x128xf32, #tpu.memory_space<vmem>>) offsets(%dma_start3A_259 : memref<8xi32, #tpu.memory_space<vmem>>) semaphore(%dma_start3A_264 : memref<!tpu.dma_semaphore, #tpu.memory_space<semaphore_mem>>)
        %mul3A_265 = arith.constant 256 : i32
        %mul3A_266 = arith.muli %add3A_234, %mul3A_265 : i32
        %add3A_267 = arith.constant 128 : i32
        %add3A_268 = arith.addi %mul3A_266, %add3A_267 : i32
        %dma_start3A_269 = arith.constant 128 : i32
        %dma_start3A_270 = arith.constant 0 : i32
        %dma_start3A_271 = tpu.memref_slice %arg7[%select_n3A_250, %dma_start3A_269, %dma_start3A_270] : memref<3x256x128xf32, #tpu.memory_space<vmem>> -> memref<1x8x128xf32, #tpu.memory_space<vmem>>
        %dma_start3A_272 = tpu.memref_squeeze %dma_start3A_271 : memref<1x8x128xf32, #tpu.memory_space<vmem>> -> memref<8x128xf32, #tpu.memory_space<vmem>>
        %dma_start3A_273 = tpu.memref_slice %arg5[%add3A_268] : memref<3328xi32, #tpu.memory_space<vmem>> -> memref<8xi32, #tpu.memory_space<vmem>>
        %dma_start3A_274 = arith.constant 0 : i32
        %dma_start3A_275 = arith.constant 0 : i32
        %dma_start3A_276 = tpu.memref_slice %arg8[%dma_start3A_274, %dma_start3A_275] : memref<120x128xf32, #tpu.memory_space<vmem_shared>> -> memref<120x128xf32, #tpu.memory_space<vmem_shared>>
        %dma_start3A_277 = tpu.memref_slice %arg9[%select_n3A_250] : memref<3x!tpu.dma_semaphore, #tpu.memory_space<semaphore_mem>> -> memref<1x!tpu.dma_semaphore, #tpu.memory_space<semaphore_mem>>
        %dma_start3A_278 = tpu.memref_squeeze %dma_start3A_277 : memref<1x!tpu.dma_semaphore, #tpu.memory_space<semaphore_mem>> -> memref<!tpu.dma_semaphore, #tpu.memory_space<semaphore_mem>>
        tpu.enqueue_indirect_dma source(%dma_start3A_276 : memref<120x128xf32, #tpu.memory_space<vmem_shared>>) target(%dma_start3A_272 : memref<8x128xf32, #tpu.memory_space<vmem>>) offsets(%dma_start3A_273 : memref<8xi32, #tpu.memory_space<vmem>>) semaphore(%dma_start3A_278 : memref<!tpu.dma_semaphore, #tpu.memory_space<semaphore_mem>>)
      } else {
      }
    }
    %sub3A_90 = arith.constant 1 : i32
    %sub3A_91 = arith.subi %sub3A_47, %sub3A_90 : i32
    %jit3A_92 = arith.constant 3 : i32
    %eq3A_93 = arith.constant 0 : i32
    %eq3A_94 = arith.cmpi eq, %jit3A_92, %eq3A_93 : i32
    %jit3A_95 = arith.constant 1 : i32
    %select_n3A_96 = arith.select %eq3A_94, %jit3A_95, %jit3A_92 : i32
    %rem3A_97 = arith.remsi %sub3A_91, %select_n3A_96 : i32
    %ne3A_98 = arith.constant 0 : i32
    %ne3A_99 = arith.cmpi ne, %rem3A_97, %ne3A_98 : i32
    %lt3A = arith.constant 0 : i32
    %lt3A_100 = arith.cmpi slt, %rem3A_97, %lt3A : i32
    %lt3A_101 = arith.constant 0 : i32
    %lt3A_102 = arith.cmpi slt, %select_n3A_96, %lt3A_101 : i32
    %ne3A_103 = arith.xori %lt3A_100, %lt3A_102 : i1
    %and3A_104 = arith.andi %ne3A_103, %ne3A_99 : i1
    %add3A_105 = arith.addi %rem3A_97, %select_n3A_96 : i32
    %select_n3A_106 = arith.select %and3A_104, %add3A_105, %rem3A_97 : i32
    %dma_wait3A = arith.constant 0 : i32
    %dma_wait3A_107 = arith.constant 0 : i32
    %dma_wait3A_108 = tpu.memref_slice %arg7[%select_n3A_106, %dma_wait3A, %dma_wait3A_107] : memref<3x256x128xf32, #tpu.memory_space<vmem>> -> memref<1x256x128xf32, #tpu.memory_space<vmem>>
    %dma_wait3A_109 = tpu.memref_squeeze %dma_wait3A_108 : memref<1x256x128xf32, #tpu.memory_space<vmem>> -> memref<256x128xf32, #tpu.memory_space<vmem>>
    %dma_wait3A_110 = arith.constant 0 : i32
    %dma_wait3A_111 = arith.constant 0 : i32
    %dma_wait3A_112 = tpu.memref_slice %arg4[%dma_wait3A_110, %dma_wait3A_111] : memref<100000x128xf32, #tpu.memory_space<hbm>> -> memref<256x128xf32, #tpu.memory_space<hbm>>
    %dma_wait3A_113 = tpu.memref_slice %arg10[%select_n3A_106] : memref<3x!tpu.dma_semaphore, #tpu.memory_space<semaphore_mem>> -> memref<1x!tpu.dma_semaphore, #tpu.memory_space<semaphore_mem>>
    %dma_wait3A_114 = tpu.memref_squeeze %dma_wait3A_113 : memref<1x!tpu.dma_semaphore, #tpu.memory_space<semaphore_mem>> -> memref<!tpu.dma_semaphore, #tpu.memory_space<semaphore_mem>>
    %dma_wait3A_115 = arith.constant 0 : i32
    %dma_wait3A_116 = arith.constant 0 : i32
    %dma_wait3A_117 = tpu.memref_slice %arg4[%dma_wait3A_115, %dma_wait3A_116] : memref<100000x128xf32, #tpu.memory_space<hbm>> -> memref<256x128xf32, #tpu.memory_space<hbm>>
    %dma_wait3A_118 = arith.constant 0 : i32
    %dma_wait3A_119 = arith.constant 0 : i32
    %dma_wait3A_120 = tpu.memref_slice %arg7[%select_n3A_106, %dma_wait3A_118, %dma_wait3A_119] : memref<3x256x128xf32, #tpu.memory_space<vmem>> -> memref<1x256x128xf32, #tpu.memory_space<vmem>>
    %dma_wait3A_121 = tpu.memref_squeeze %dma_wait3A_120 : memref<1x256x128xf32, #tpu.memory_space<vmem>> -> memref<256x128xf32, #tpu.memory_space<vmem>>
    tpu.wait_dma2 semaphore(%dma_wait3A_114 : memref<!tpu.dma_semaphore, #tpu.memory_space<semaphore_mem>>) src(%dma_wait3A_121 : memref<256x128xf32, #tpu.memory_space<vmem>>) dst(%dma_wait3A_117 : memref<256x128xf32, #tpu.memory_space<hbm>>)
    %gt3A_122 = arith.constant 1 : i32
    %gt3A_123 = arith.cmpi sgt, %sub3A_47, %gt3A_122 : i32
    %convert_element_type3A_124 = arith.extui %gt3A_123 : i1 to i32
    %cond3A_125 = arith.constant 0 : i32
    %cond3A_126 = arith.cmpi ne, %convert_element_type3A_124, %cond3A_125 : i32
    scf.if %cond3A_126 {
      %sub3A_137 = arith.constant 2 : i32
      %sub3A_138 = arith.subi %sub3A_47, %sub3A_137 : i32
      %jit3A_139 = arith.constant 3 : i32
      %eq3A_140 = arith.constant 0 : i32
      %eq3A_141 = arith.cmpi eq, %jit3A_139, %eq3A_140 : i32
      %jit3A_142 = arith.constant 1 : i32
      %select_n3A_143 = arith.select %eq3A_141, %jit3A_142, %jit3A_139 : i32
      %rem3A_144 = arith.remsi %sub3A_138, %select_n3A_143 : i32
      %ne3A_145 = arith.constant 0 : i32
      %ne3A_146 = arith.cmpi ne, %rem3A_144, %ne3A_145 : i32
      %lt3A_147 = arith.constant 0 : i32
      %lt3A_148 = arith.cmpi slt, %rem3A_144, %lt3A_147 : i32
      %lt3A_149 = arith.constant 0 : i32
      %lt3A_150 = arith.cmpi slt, %select_n3A_143, %lt3A_149 : i32
      %ne3A_151 = arith.xori %lt3A_148, %lt3A_150 : i1
      %and3A_152 = arith.andi %ne3A_151, %ne3A_146 : i1
      %add3A_153 = arith.addi %rem3A_144, %select_n3A_143 : i32
      %select_n3A_154 = arith.select %and3A_152, %add3A_153, %rem3A_144 : i32
      %dma_wait3A_155 = arith.constant 0 : i32
      %dma_wait3A_156 = arith.constant 0 : i32
      %dma_wait3A_157 = tpu.memref_slice %arg7[%select_n3A_154, %dma_wait3A_155, %dma_wait3A_156] : memref<3x256x128xf32, #tpu.memory_space<vmem>> -> memref<1x256x128xf32, #tpu.memory_space<vmem>>
      %dma_wait3A_158 = tpu.memref_squeeze %dma_wait3A_157 : memref<1x256x128xf32, #tpu.memory_space<vmem>> -> memref<256x128xf32, #tpu.memory_space<vmem>>
      %dma_wait3A_159 = arith.constant 0 : i32
      %dma_wait3A_160 = arith.constant 0 : i32
      %dma_wait3A_161 = tpu.memref_slice %arg4[%dma_wait3A_159, %dma_wait3A_160] : memref<100000x128xf32, #tpu.memory_space<hbm>> -> memref<256x128xf32, #tpu.memory_space<hbm>>
      %dma_wait3A_162 = tpu.memref_slice %arg10[%select_n3A_154] : memref<3x!tpu.dma_semaphore, #tpu.memory_space<semaphore_mem>> -> memref<1x!tpu.dma_semaphore, #tpu.memory_space<semaphore_mem>>
      %dma_wait3A_163 = tpu.memref_squeeze %dma_wait3A_162 : memref<1x!tpu.dma_semaphore, #tpu.memory_space<semaphore_mem>> -> memref<!tpu.dma_semaphore, #tpu.memory_space<semaphore_mem>>
      %dma_wait3A_164 = arith.constant 0 : i32
      %dma_wait3A_165 = arith.constant 0 : i32
      %dma_wait3A_166 = tpu.memref_slice %arg4[%dma_wait3A_164, %dma_wait3A_165] : memref<100000x128xf32, #tpu.memory_space<hbm>> -> memref<256x128xf32, #tpu.memory_space<hbm>>
      %dma_wait3A_167 = arith.constant 0 : i32
      %dma_wait3A_168 = arith.constant 0 : i32
      %dma_wait3A_169 = tpu.memref_slice %arg7[%select_n3A_154, %dma_wait3A_167, %dma_wait3A_168] : memref<3x256x128xf32, #tpu.memory_space<vmem>> -> memref<1x256x128xf32, #tpu.memory_space<vmem>>
      %dma_wait3A_170 = tpu.memref_squeeze %dma_wait3A_169 : memref<1x256x128xf32, #tpu.memory_space<vmem>> -> memref<256x128xf32, #tpu.memory_space<vmem>>
      tpu.wait_dma2 semaphore(%dma_wait3A_163 : memref<!tpu.dma_semaphore, #tpu.memory_space<semaphore_mem>>) src(%dma_wait3A_170 : memref<256x128xf32, #tpu.memory_space<vmem>>) dst(%dma_wait3A_166 : memref<256x128xf32, #tpu.memory_space<hbm>>)
    } else {
    }
    %gt3A_127 = arith.constant 2 : i32
    %gt3A_128 = arith.cmpi sgt, %sub3A_47, %gt3A_127 : i32
    %convert_element_type3A_129 = arith.extui %gt3A_128 : i1 to i32
    %cond3A_130 = arith.constant 0 : i32
    %cond3A_131 = arith.cmpi ne, %convert_element_type3A_129, %cond3A_130 : i32
    scf.if %cond3A_131 {
      %sub3A_137 = arith.constant 3 : i32
      %sub3A_138 = arith.subi %sub3A_47, %sub3A_137 : i32
      %jit3A_139 = arith.constant 3 : i32
      %eq3A_140 = arith.constant 0 : i32
      %eq3A_141 = arith.cmpi eq, %jit3A_139, %eq3A_140 : i32
      %jit3A_142 = arith.constant 1 : i32
      %select_n3A_143 = arith.select %eq3A_141, %jit3A_142, %jit3A_139 : i32
      %rem3A_144 = arith.remsi %sub3A_138, %select_n3A_143 : i32
      %ne3A_145 = arith.constant 0 : i32
      %ne3A_146 = arith.cmpi ne, %rem3A_144, %ne3A_145 : i32
      %lt3A_147 = arith.constant 0 : i32
      %lt3A_148 = arith.cmpi slt, %rem3A_144, %lt3A_147 : i32
      %lt3A_149 = arith.constant 0 : i32
      %lt3A_150 = arith.cmpi slt, %select_n3A_143, %lt3A_149 : i32
      %ne3A_151 = arith.xori %lt3A_148, %lt3A_150 : i1
      %and3A_152 = arith.andi %ne3A_151, %ne3A_146 : i1
      %add3A_153 = arith.addi %rem3A_144, %select_n3A_143 : i32
      %select_n3A_154 = arith.select %and3A_152, %add3A_153, %rem3A_144 : i32
      %dma_wait3A_155 = arith.constant 0 : i32
      %dma_wait3A_156 = arith.constant 0 : i32
      %dma_wait3A_157 = tpu.memref_slice %arg7[%select_n3A_154, %dma_wait3A_155, %dma_wait3A_156] : memref<3x256x128xf32, #tpu.memory_space<vmem>> -> memref<1x256x128xf32, #tpu.memory_space<vmem>>
      %dma_wait3A_158 = tpu.memref_squeeze %dma_wait3A_157 : memref<1x256x128xf32, #tpu.memory_space<vmem>> -> memref<256x128xf32, #tpu.memory_space<vmem>>
      %dma_wait3A_159 = arith.constant 0 : i32
      %dma_wait3A_160 = arith.constant 0 : i32
      %dma_wait3A_161 = tpu.memref_slice %arg4[%dma_wait3A_159, %dma_wait3A_160] : memref<100000x128xf32, #tpu.memory_space<hbm>> -> memref<256x128xf32, #tpu.memory_space<hbm>>
      %dma_wait3A_162 = tpu.memref_slice %arg10[%select_n3A_154] : memref<3x!tpu.dma_semaphore, #tpu.memory_space<semaphore_mem>> -> memref<1x!tpu.dma_semaphore, #tpu.memory_space<semaphore_mem>>
      %dma_wait3A_163 = tpu.memref_squeeze %dma_wait3A_162 : memref<1x!tpu.dma_semaphore, #tpu.memory_space<semaphore_mem>> -> memref<!tpu.dma_semaphore, #tpu.memory_space<semaphore_mem>>
      %dma_wait3A_164 = arith.constant 0 : i32
      %dma_wait3A_165 = arith.constant 0 : i32
      %dma_wait3A_166 = tpu.memref_slice %arg4[%dma_wait3A_164, %dma_wait3A_165] : memref<100000x128xf32, #tpu.memory_space<hbm>> -> memref<256x128xf32, #tpu.memory_space<hbm>>
      %dma_wait3A_167 = arith.constant 0 : i32
      %dma_wait3A_168 = arith.constant 0 : i32
      %dma_wait3A_169 = tpu.memref_slice %arg7[%select_n3A_154, %dma_wait3A_167, %dma_wait3A_168] : memref<3x256x128xf32, #tpu.memory_space<vmem>> -> memref<1x256x128xf32, #tpu.memory_space<vmem>>
      %dma_wait3A_170 = tpu.memref_squeeze %dma_wait3A_169 : memref<1x256x128xf32, #tpu.memory_space<vmem>> -> memref<256x128xf32, #tpu.memory_space<vmem>>
      tpu.wait_dma2 semaphore(%dma_wait3A_163 : memref<!tpu.dma_semaphore, #tpu.memory_space<semaphore_mem>>) src(%dma_wait3A_170 : memref<256x128xf32, #tpu.memory_space<vmem>>) dst(%dma_wait3A_166 : memref<256x128xf32, #tpu.memory_space<hbm>>)
    } else {
    }
    %eq3A_132 = arith.constant 0 : i32
    %eq3A_133 = arith.cmpi eq, %add3A, %eq3A_132 : i32
    %convert_element_type3A_134 = arith.extui %eq3A_133 : i1 to i32
    %cond3A_135 = arith.constant 0 : i32
    %cond3A_136 = arith.cmpi ne, %convert_element_type3A_134, %cond3A_135 : i32
    scf.if %cond3A_136 {
      "tpu.region"() ({
        %run_scoped3A_199 = tpu.sem_alloc : memref<!tpu.dma_semaphore, #tpu.memory_space<semaphore_mem>>
        %dma_start3A_200 = arith.constant 99840 : i32
        %dma_start3A_201 = tpu.memref_slice %arg3[%dma_start3A_200] : memref<100000xi32, #tpu.memory_space<hbm>> -> memref<160xi32, #tpu.memory_space<hbm>>
        %dma_start3A_202 = arith.constant 99840 : i32
        %dma_start3A_203 = tpu.memref_slice %arg3[%dma_start3A_202] : memref<100000xi32, #tpu.memory_space<hbm>> -> memref<160xi32, #tpu.memory_space<hbm>>
        tpu.enqueue_dma source(%dma_start3A_203 : memref<160xi32, #tpu.memory_space<hbm>>) target(%arg6 : memref<160xi32, #tpu.memory_space<vmem>>) target_semaphore(%run_scoped3A_199 : memref<!tpu.dma_semaphore, #tpu.memory_space<semaphore_mem>>)
        %dma_wait3A_204 = arith.constant 99840 : i32
        %dma_wait3A_205 = tpu.memref_slice %arg3[%dma_wait3A_204] : memref<100000xi32, #tpu.memory_space<hbm>> -> memref<160xi32, #tpu.memory_space<hbm>>
        %dma_wait3A_206 = arith.constant 99840 : i32
        %dma_wait3A_207 = tpu.memref_slice %arg3[%dma_wait3A_206] : memref<100000xi32, #tpu.memory_space<hbm>> -> memref<160xi32, #tpu.memory_space<hbm>>
        tpu.wait_dma2 semaphore(%run_scoped3A_199 : memref<!tpu.dma_semaphore, #tpu.memory_space<semaphore_mem>>) src(%dma_wait3A_207 : memref<160xi32, #tpu.memory_space<hbm>>) dst(%arg6 : memref<160xi32, #tpu.memory_space<vmem>>)
        tpu.yield
      }) : () -> ()
      %dma_start3A_137 = arith.constant 0 : i32
      %dma_start3A_138 = arith.constant 0 : i32
      %dma_start3A_139 = arith.constant 0 : i32
      %dma_start3A_140 = arith.constant 0 : i32
      %dma_start3A_141 = tpu.memref_slice %arg7[%dma_start3A_137, %dma_start3A_139, %dma_start3A_140] : memref<3x256x128xf32, #tpu.memory_space<vmem>> -> memref<1x128x128xf32, #tpu.memory_space<vmem>>
      %dma_start3A_142 = tpu.memref_squeeze %dma_start3A_141 : memref<1x128x128xf32, #tpu.memory_space<vmem>> -> memref<128x128xf32, #tpu.memory_space<vmem>>
      %dma_start3A_143 = arith.constant 0 : i32
      %dma_start3A_144 = tpu.memref_slice %arg6[%dma_start3A_143] : memref<160xi32, #tpu.memory_space<vmem>> -> memref<128xi32, #tpu.memory_space<vmem>>
      %dma_start3A_145 = arith.constant 0 : i32
      %dma_start3A_146 = arith.constant 0 : i32
      %dma_start3A_147 = tpu.memref_slice %arg8[%dma_start3A_145, %dma_start3A_146] : memref<120x128xf32, #tpu.memory_space<vmem_shared>> -> memref<120x128xf32, #tpu.memory_space<vmem_shared>>
      %dma_start3A_148 = tpu.memref_slice %arg9[%dma_start3A_138] : memref<3x!tpu.dma_semaphore, #tpu.memory_space<semaphore_mem>> -> memref<1x!tpu.dma_semaphore, #tpu.memory_space<semaphore_mem>>
      %dma_start3A_149 = tpu.memref_squeeze %dma_start3A_148 : memref<1x!tpu.dma_semaphore, #tpu.memory_space<semaphore_mem>> -> memref<!tpu.dma_semaphore, #tpu.memory_space<semaphore_mem>>
      tpu.enqueue_indirect_dma source(%dma_start3A_147 : memref<120x128xf32, #tpu.memory_space<vmem_shared>>) target(%dma_start3A_142 : memref<128x128xf32, #tpu.memory_space<vmem>>) offsets(%dma_start3A_144 : memref<128xi32, #tpu.memory_space<vmem>>) semaphore(%dma_start3A_149 : memref<!tpu.dma_semaphore, #tpu.memory_space<semaphore_mem>>)
      %dma_start3A_150 = arith.constant 0 : i32
      %dma_start3A_151 = arith.constant 0 : i32
      %dma_start3A_152 = arith.constant 128 : i32
      %dma_start3A_153 = arith.constant 0 : i32
      %dma_start3A_154 = tpu.memref_slice %arg7[%dma_start3A_150, %dma_start3A_152, %dma_start3A_153] : memref<3x256x128xf32, #tpu.memory_space<vmem>> -> memref<1x32x128xf32, #tpu.memory_space<vmem>>
      %dma_start3A_155 = tpu.memref_squeeze %dma_start3A_154 : memref<1x32x128xf32, #tpu.memory_space<vmem>> -> memref<32x128xf32, #tpu.memory_space<vmem>>
      %dma_start3A_156 = arith.constant 128 : i32
      %dma_start3A_157 = tpu.memref_slice %arg6[%dma_start3A_156] : memref<160xi32, #tpu.memory_space<vmem>> -> memref<32xi32, #tpu.memory_space<vmem>>
      %dma_start3A_158 = arith.constant 0 : i32
      %dma_start3A_159 = arith.constant 0 : i32
      %dma_start3A_160 = tpu.memref_slice %arg8[%dma_start3A_158, %dma_start3A_159] : memref<120x128xf32, #tpu.memory_space<vmem_shared>> -> memref<120x128xf32, #tpu.memory_space<vmem_shared>>
      %dma_start3A_161 = tpu.memref_slice %arg9[%dma_start3A_151] : memref<3x!tpu.dma_semaphore, #tpu.memory_space<semaphore_mem>> -> memref<1x!tpu.dma_semaphore, #tpu.memory_space<semaphore_mem>>
      %dma_start3A_162 = tpu.memref_squeeze %dma_start3A_161 : memref<1x!tpu.dma_semaphore, #tpu.memory_space<semaphore_mem>> -> memref<!tpu.dma_semaphore, #tpu.memory_space<semaphore_mem>>
      tpu.enqueue_indirect_dma source(%dma_start3A_160 : memref<120x128xf32, #tpu.memory_space<vmem_shared>>) target(%dma_start3A_155 : memref<32x128xf32, #tpu.memory_space<vmem>>) offsets(%dma_start3A_157 : memref<32xi32, #tpu.memory_space<vmem>>) semaphore(%dma_start3A_162 : memref<!tpu.dma_semaphore, #tpu.memory_space<semaphore_mem>>)
      %dma_wait3A_163 = arith.constant 0 : i32
      %dma_wait3A_164 = arith.constant 0 : i32
      %dma_wait3A_165 = arith.constant 0 : i32
      %dma_wait3A_166 = arith.constant 0 : i32
      %dma_wait3A_167 = tpu.memref_slice %arg7[%dma_wait3A_163, %dma_wait3A_165, %dma_wait3A_166] : memref<3x256x128xf32, #tpu.memory_space<vmem>> -> memref<1x128x128xf32, #tpu.memory_space<vmem>>
      %dma_wait3A_168 = tpu.memref_squeeze %dma_wait3A_167 : memref<1x128x128xf32, #tpu.memory_space<vmem>> -> memref<128x128xf32, #tpu.memory_space<vmem>>
      %dma_wait3A_169 = arith.constant 0 : i32
      %dma_wait3A_170 = arith.constant 0 : i32
      %dma_wait3A_171 = tpu.memref_slice %arg4[%dma_wait3A_169, %dma_wait3A_170] : memref<100000x128xf32, #tpu.memory_space<hbm>> -> memref<128x128xf32, #tpu.memory_space<hbm>>
      %dma_wait3A_172 = tpu.memref_slice %arg9[%dma_wait3A_164] : memref<3x!tpu.dma_semaphore, #tpu.memory_space<semaphore_mem>> -> memref<1x!tpu.dma_semaphore, #tpu.memory_space<semaphore_mem>>
      %dma_wait3A_173 = tpu.memref_squeeze %dma_wait3A_172 : memref<1x!tpu.dma_semaphore, #tpu.memory_space<semaphore_mem>> -> memref<!tpu.dma_semaphore, #tpu.memory_space<semaphore_mem>>
      %dma_wait3A_174 = arith.constant 0 : i32
      %dma_wait3A_175 = arith.constant 0 : i32
      %dma_wait3A_176 = tpu.memref_slice %arg7[%dma_wait3A_163, %dma_wait3A_174, %dma_wait3A_175] : memref<3x256x128xf32, #tpu.memory_space<vmem>> -> memref<1x128x128xf32, #tpu.memory_space<vmem>>
      %dma_wait3A_177 = tpu.memref_squeeze %dma_wait3A_176 : memref<1x128x128xf32, #tpu.memory_space<vmem>> -> memref<128x128xf32, #tpu.memory_space<vmem>>
      %dma_wait3A_178 = arith.constant 0 : i32
      %dma_wait3A_179 = arith.constant 0 : i32
      %dma_wait3A_180 = tpu.memref_slice %arg4[%dma_wait3A_178, %dma_wait3A_179] : memref<100000x128xf32, #tpu.memory_space<hbm>> -> memref<128x128xf32, #tpu.memory_space<hbm>>
      tpu.wait_dma2 semaphore(%dma_wait3A_173 : memref<!tpu.dma_semaphore, #tpu.memory_space<semaphore_mem>>) src(%dma_wait3A_180 : memref<128x128xf32, #tpu.memory_space<hbm>>) dst(%dma_wait3A_177 : memref<128x128xf32, #tpu.memory_space<vmem>>)
      %dma_wait3A_181 = arith.constant 0 : i32
      %dma_wait3A_182 = arith.constant 0 : i32
      %dma_wait3A_183 = arith.constant 0 : i32
      %dma_wait3A_184 = arith.constant 0 : i32
      %dma_wait3A_185 = tpu.memref_slice %arg7[%dma_wait3A_181, %dma_wait3A_183, %dma_wait3A_184] : memref<3x256x128xf32, #tpu.memory_space<vmem>> -> memref<1x32x128xf32, #tpu.memory_space<vmem>>
      %dma_wait3A_186 = tpu.memref_squeeze %dma_wait3A_185 : memref<1x32x128xf32, #tpu.memory_space<vmem>> -> memref<32x128xf32, #tpu.memory_space<vmem>>
      %dma_wait3A_187 = arith.constant 0 : i32
      %dma_wait3A_188 = arith.constant 0 : i32
      %dma_wait3A_189 = tpu.memref_slice %arg4[%dma_wait3A_187, %dma_wait3A_188] : memref<100000x128xf32, #tpu.memory_space<hbm>> -> memref<32x128xf32, #tpu.memory_space<hbm>>
      %dma_wait3A_190 = tpu.memref_slice %arg9[%dma_wait3A_182] : memref<3x!tpu.dma_semaphore, #tpu.memory_space<semaphore_mem>> -> memref<1x!tpu.dma_semaphore, #tpu.memory_space<semaphore_mem>>
      %dma_wait3A_191 = tpu.memref_squeeze %dma_wait3A_190 : memref<1x!tpu.dma_semaphore, #tpu.memory_space<semaphore_mem>> -> memref<!tpu.dma_semaphore, #tpu.memory_space<semaphore_mem>>
      %dma_wait3A_192 = arith.constant 0 : i32
      %dma_wait3A_193 = arith.constant 0 : i32
      %dma_wait3A_194 = tpu.memref_slice %arg7[%dma_wait3A_181, %dma_wait3A_192, %dma_wait3A_193] : memref<3x256x128xf32, #tpu.memory_space<vmem>> -> memref<1x32x128xf32, #tpu.memory_space<vmem>>
      %dma_wait3A_195 = tpu.memref_squeeze %dma_wait3A_194 : memref<1x32x128xf32, #tpu.memory_space<vmem>> -> memref<32x128xf32, #tpu.memory_space<vmem>>
      %dma_wait3A_196 = arith.constant 0 : i32
      %dma_wait3A_197 = arith.constant 0 : i32
      %dma_wait3A_198 = tpu.memref_slice %arg4[%dma_wait3A_196, %dma_wait3A_197] : memref<100000x128xf32, #tpu.memory_space<hbm>> -> memref<32x128xf32, #tpu.memory_space<hbm>>
      tpu.wait_dma2 semaphore(%dma_wait3A_191 : memref<!tpu.dma_semaphore, #tpu.memory_space<semaphore_mem>>) src(%dma_wait3A_198 : memref<32x128xf32, #tpu.memory_space<hbm>>) dst(%dma_wait3A_195 : memref<32x128xf32, #tpu.memory_space<vmem>>)
      %run_scoped3A = arith.constant 0 : i32
      "tpu.region"() ({
        %run_scoped3A_199 = tpu.sem_alloc : memref<!tpu.dma_semaphore, #tpu.memory_space<semaphore_mem>>
        %dma_start3A_200 = arith.constant 0 : i32
        %dma_start3A_201 = arith.constant 0 : i32
        %dma_start3A_202 = tpu.memref_slice %arg7[%run_scoped3A, %dma_start3A_200, %dma_start3A_201] : memref<3x256x128xf32, #tpu.memory_space<vmem>> -> memref<1x160x128xf32, #tpu.memory_space<vmem>>
        %dma_start3A_203 = tpu.memref_squeeze %dma_start3A_202 : memref<1x160x128xf32, #tpu.memory_space<vmem>> -> memref<160x128xf32, #tpu.memory_space<vmem>>
        %dma_start3A_204 = arith.constant 99840 : i32
        %dma_start3A_205 = arith.constant 0 : i32
        %dma_start3A_206 = tpu.memref_slice %arg4[%dma_start3A_204, %dma_start3A_205] : memref<100000x128xf32, #tpu.memory_space<hbm>> -> memref<160x128xf32, #tpu.memory_space<hbm>>
        %dma_start3A_207 = arith.constant 99840 : i32
        %dma_start3A_208 = arith.constant 0 : i32
        %dma_start3A_209 = tpu.memref_slice %arg4[%dma_start3A_207, %dma_start3A_208] : memref<100000x128xf32, #tpu.memory_space<hbm>> -> memref<160x128xf32, #tpu.memory_space<hbm>>
        %dma_start3A_210 = arith.constant 0 : i32
        %dma_start3A_211 = arith.constant 0 : i32
        %dma_start3A_212 = tpu.memref_slice %arg7[%run_scoped3A, %dma_start3A_210, %dma_start3A_211] : memref<3x256x128xf32, #tpu.memory_space<vmem>> -> memref<1x160x128xf32, #tpu.memory_space<vmem>>
        %dma_start3A_213 = tpu.memref_squeeze %dma_start3A_212 : memref<1x160x128xf32, #tpu.memory_space<vmem>> -> memref<160x128xf32, #tpu.memory_space<vmem>>
        tpu.enqueue_dma source(%dma_start3A_213 : memref<160x128xf32, #tpu.memory_space<vmem>>) target(%dma_start3A_209 : memref<160x128xf32, #tpu.memory_space<hbm>>) target_semaphore(%run_scoped3A_199 : memref<!tpu.dma_semaphore, #tpu.memory_space<semaphore_mem>>)
        %dma_wait3A_214 = arith.constant 0 : i32
        %dma_wait3A_215 = arith.constant 0 : i32
        %dma_wait3A_216 = tpu.memref_slice %arg7[%run_scoped3A, %dma_wait3A_214, %dma_wait3A_215] : memref<3x256x128xf32, #tpu.memory_space<vmem>> -> memref<1x160x128xf32, #tpu.memory_space<vmem>>
        %dma_wait3A_217 = tpu.memref_squeeze %dma_wait3A_216 : memref<1x160x128xf32, #tpu.memory_space<vmem>> -> memref<160x128xf32, #tpu.memory_space<vmem>>
        %dma_wait3A_218 = arith.constant 99840 : i32
        %dma_wait3A_219 = arith.constant 0 : i32
        %dma_wait3A_220 = tpu.memref_slice %arg4[%dma_wait3A_218, %dma_wait3A_219] : memref<100000x128xf32, #tpu.memory_space<hbm>> -> memref<160x128xf32, #tpu.memory_space<hbm>>
        %dma_wait3A_221 = arith.constant 99840 : i32
        %dma_wait3A_222 = arith.constant 0 : i32
        %dma_wait3A_223 = tpu.memref_slice %arg4[%dma_wait3A_221, %dma_wait3A_222] : memref<100000x128xf32, #tpu.memory_space<hbm>> -> memref<160x128xf32, #tpu.memory_space<hbm>>
        %dma_wait3A_224 = arith.constant 0 : i32
        %dma_wait3A_225 = arith.constant 0 : i32
        %dma_wait3A_226 = tpu.memref_slice %arg7[%run_scoped3A, %dma_wait3A_224, %dma_wait3A_225] : memref<3x256x128xf32, #tpu.memory_space<vmem>> -> memref<1x160x128xf32, #tpu.memory_space<vmem>>
        %dma_wait3A_227 = tpu.memref_squeeze %dma_wait3A_226 : memref<1x160x128xf32, #tpu.memory_space<vmem>> -> memref<160x128xf32, #tpu.memory_space<vmem>>
        tpu.wait_dma2 semaphore(%run_scoped3A_199 : memref<!tpu.dma_semaphore, #tpu.memory_space<semaphore_mem>>) src(%dma_wait3A_227 : memref<160x128xf32, #tpu.memory_space<vmem>>) dst(%dma_wait3A_223 : memref<160x128xf32, #tpu.memory_space<hbm>>)
        tpu.yield
      }) : () -> ()
    } else {
    }
    return
  }
}

</mosaic_0001>

<sc_bundles>
// kernel: kernel.3.cloned.1.call-start
scs
__scs_entry_jumppad:
0x0: {  	(pc) =	sbr.rel $0x88, $3  }
0x1: {  	(tag) =	ssettag $0x0;
	lr =	simm.s32 $0x1  }
0x2: {  	[smem:$0x3F9F] =	sst lr;
	_ =	strace $0xD0000000  }
0x3: {  	_ = 	snop  }
0x4: {  	_ = 	snop  }
0x5: {  	_ = 	snop  }
0x6: {  	_ = 	snop  }
0x7: {  	_ = 	snop  }
__scs_overlays_trampoline_lowered:
0x8: {  	[smem:$0x3FAE] =	sst s0  }
0x9: {  	[smem:$0x3FAF] =	sst s1  }
0xa: {  	[smem:$0x3FB0] =	sst s2  }
0xb: {  	[smem:$0x3FB1] =	sst s3  }
0xc: {  	[smem:$0x3FB2] =	sst s4  }
0xd: {  	[smem:$0x3FB3] =	sst s5  }
0xe: {  	[smem:$0x3FB4] =	sst s6  }
0xf: {  	[smem:$0x3FB5] =	sst s7  }
0x10: {  	[smem:$0x3FB6] =	sst s8  }
0x11: {  	[smem:$0x3FB7] =	sst s9;
	s0 =	simm.s32 @!p0 $0x0  }
0x12: {  	s1 =	sld [smem:$0x3F9D];
	s0 =	simm.s32 @p0 $0x1  }
0x13: {  	[smem:$0x3FB8] =	sst s0;
	s0 =	simm.s32 @!p1 $0x0  }
0x14: {  	s2 =	sld [smem:$0x3F9C];
	s0 =	simm.s32 @p1 $0x1  }
0x15: {  	[smem:$0x3FB9] =	sst s0;
	s0 =	simm.s32 @!p2 $0x0  }
0x16: {  	s3 =	sld [smem:$0x3FDB];
	s0 =	simm.s32 @p2 $0x1  }
0x17: {  	s4 =	simm.s32 $0x1BF5;
	[smem:$0x3FBB] =	sst s0  }
0x18: {  	s0 =	sld [smem:$0x3F9E];
	_ =	swait.ge [sflag:s4], $0x0  }
0x19: {  	s7 =	sld [smem:$0x3F9F]  }
0x1a: {  	s8 =	sadd.s32 $0xFFFFE003, lr  }
0x1b: {  	s9 =	sadd.s32 $0xFFFFFEF7, lr;
	s5 =	simm.s32 $0xFFFFFFFF;
	p2 =	slt.u32 s8, $0xFFFFF086  }
0x1c: {  	p1 =	slt.u32 s9, $0xF7A;
	s5 =	simm.s32 @!p2 $0x0  }
0x1d: {  	s5 =	simm.s32 @p1 $0x1;
	p0 =	seq.s32 s7, s2  }
0x1e: {  	s7 =	smul.u32 @!p0 $0xF7A, s2;
	p2 =	seq.s32 @!p0 s5, $0x0  }
0x1f: {  	s9 =	smul.u32 $0xF7A, s1;
	s8 =	simm.s32 @!p0 $0x1BF5;
	p2 =	por !p2, p0  }
0x20: {  	[sflag:s8] =	ssyncset.s32 @!p0 $0xFFFFF086;
	s6 =	sadd.s32 @!p0 s3, s7;
	s7 =	simm.s32 @!p0 $0x108  }
0x21: {  	s3 =	sadd.s32 s3, s9;
	s6 =	sadd.s32 @!p0 $0x88, s6;
	s7 =	simm.s32 @p2 $0x1082  }
0x22: {  	[simem:s7], [sflag:s8] =	dma.local @!p0 [hbm:s6], $0xF7A  }
0x23: {  	s9 =	sor.u32 $0xD0000000, s2;
	s6 =	simm.s32 $0x108;
	_ =	swait.ge @!p0 [sflag:s8], $0x0  }
0x24: {  	s3 =	sadd.s32 $0x88, s3;
	s6 =	simm.s32 @!p1 $0x1082;
	[sflag:s4] =	ssyncset.s32 $0xFFFFF086  }
0x25: {  	[simem:s6], [sflag:s4] =	dma.local [hbm:s3], $0xF7A  }
0x26: {  	[smem:$0x3F9F] =	sst s1;
	(tag) =	ssettag s2;
	_ =	strace s9  }
0x27: {  	s1 =	sld [smem:$0x3FAF]  }
0x28: {  	s2 =	sld [smem:$0x3FB0]  }
0x29: {  	s4 =	sld [smem:$0x3FB2]  }
0x2a: {  	p0 =	seq.s32 s5, $0x0;
	s5 =	sld [smem:$0x3FB3]  }
0x2b: {  	s6 =	sld [smem:$0x3FB4]  }
0x2c: {  	s7 =	sld [smem:$0x3FB5]  }
0x2d: {  	s3 =	simm.s32 $0x108;
	s8 =	sld [smem:$0x3FB6]  }
0x2e: {  	s3 =	simm.s32 @!p0 $0x1082;
	s9 =	sld [smem:$0x3FB7]  }
0x2f: {  	lr =	sadd.s32 s0, s3;
	s0 =	sld [smem:$0x3FAE]  }
0x30: {  	s3 =	sld [smem:$0x3FB1]  }
0x31: {  	[smem:$0x3FBA] =	sst s10  }
0x32: {  	s10 =	sld [smem:$0x3FB8];
	_ =	sdelay $0x3  }
0x33: {  	p0 =	seq.s32 s10, $0x1;
	s10 =	sld [smem:$0x3FBA];
	_ =	sdelay $0x3  }
0x34: {  	[smem:$0x3FBA] =	sst s10  }
0x35: {  	s10 =	sld [smem:$0x3FB9];
	_ =	sdelay $0x3  }
0x36: {  	p1 =	seq.s32 s10, $0x1;
	s10 =	sld [smem:$0x3FBA];
	_ =	sdelay $0x3  }
0x37: {  	[smem:$0x3FBA] =	sst s10  }
0x38: {  	s10 =	sld [smem:$0x3FBB]  }
0x39: {  	_ = 	snop;
	(pc) =	sbr.ind lr, $3  }
0x3a: {  	_ = 	snop  }
0x3b: {  	_ = 	snop  }
0x3c: {  	p2 =	seq.s32 s10, $0x1;
	s10 =	sld [smem:$0x3FBA]  }
0x3d: {  	_ =	shalt  }
0x3e: {  	_ =	shalt  }
0x3f: {  	_ =	shalt  }
0x40: {  	_ =	shalt  }
0x41: {  	_ =	shalt  }
0x42: {  	_ =	shalt  }
0x43: {  	_ =	shalt  }
0x44: {  	_ =	shalt  }
0x45: {  	_ =	shalt  }
0x46: {  	_ =	shalt  }
0x47: {  	_ =	shalt  }
0x48: {  	_ =	shalt  }
0x49: {  	_ =	shalt  }
0x4a: {  	_ =	shalt  }
0x4b: {  	_ =	shalt  }
0x4c: {  	_ =	shalt  }
0x4d: {  	_ =	shalt  }
0x4e: {  	_ =	shalt  }
0x4f: {  	_ =	shalt  }
0x50: {  	_ =	shalt  }
0x51: {  	_ =	shalt  }
0x52: {  	_ =	shalt  }
0x53: {  	_ =	shalt  }
0x54: {  	_ =	shalt  }
0x55: {  	_ =	shalt  }
0x56: {  	_ =	shalt  }
0x57: {  	_ =	shalt  }
0x58: {  	_ =	shalt  }
0x59: {  	_ =	shalt  }
0x5a: {  	_ =	shalt  }
0x5b: {  	_ =	shalt  }
0x5c: {  	_ =	shalt  }
0x5d: {  	_ =	shalt  }
0x5e: {  	_ =	shalt  }
0x5f: {  	_ =	shalt  }
0x60: {  	_ =	shalt  }
0x61: {  	_ =	shalt  }
0x62: {  	_ =	shalt  }
0x63: {  	_ =	shalt  }
0x64: {  	_ =	shalt  }
0x65: {  	_ =	shalt  }
0x66: {  	_ =	shalt  }
0x67: {  	_ =	shalt  }
0x68: {  	_ =	shalt  }
0x69: {  	_ =	shalt  }
0x6a: {  	_ =	shalt  }
0x6b: {  	_ =	shalt  }
0x6c: {  	_ =	shalt  }
0x6d: {  	_ =	shalt  }
0x6e: {  	_ =	shalt  }
0x6f: {  	_ =	shalt  }
0x70: {  	_ =	shalt  }
0x71: {  	_ =	shalt  }
0x72: {  	_ =	shalt  }
0x73: {  	_ =	shalt  }
0x74: {  	_ =	shalt  }
0x75: {  	_ =	shalt  }
0x76: {  	_ =	shalt  }
0x77: {  	_ =	shalt  }
0x78: {  	_ =	shalt  }
0x79: {  	_ =	shalt  }
0x7a: {  	_ =	shalt  }
0x7b: {  	_ =	shalt  }
0x7c: {  	_ =	shalt  }
0x7d: {  	_ =	shalt  }
0x7e: {  	_ =	shalt  }
0x7f: {  	_ =	shalt  }
0x80: {  	_ =	shalt  }
0x81: {  	_ =	shalt  }
0x82: {  	_ =	shalt  }
0x83: {  	_ =	shalt  }
0x84: {  	_ =	shalt  }
0x85: {  	_ =	shalt  }
0x86: {  	_ =	shalt  }
0x87: {  	_ =	shalt  }
.Lfunc_end0:
.L_simem_size_0:
called_computation_lowered:
.L_overlay_start_0:
0x88: {  	s2 =	sld [smem:$0x3FD9]  }
0x89: {  	s3 =	sld [smem:$0x3FFE];
	_ =	sdelay $0x1  }
0x8a: {  	s1 =	srdreg.scid  }
0x8b: {  	s0 =	sand.u32 $0x1, s1  }
0x8c: {  	s18 =	sshll.u32 s0, $0xA;
	s2 =	sadd.s32 s3, s2  }
0x8d: {  	s2 =	sadd.s32 s2, s18  }
0x8e: {  	[smem:$0x3FC6] =	sst s2  }
0x8f: {  	_ = 	snop  }
0x90: {  	s2 =	sld [smem:$0x3FC9]  }
0x91: {  	s19 =	sld [smem:$0x3FC8]  }
0x92: {  	s4 =	sld [smem:$0x3FD0];
	(tm) =	ssettm $0x1  }
0x93: {  	s5 =	sld [smem:$0x3FFB];
	_ =	sdelay $0x3  }
0x94: {  	_ =	strace s5  }
0x95: {  	s5 =	sld [smem:$0x3FFC];
	_ =	sdelay $0x3  }
0x96: {  	_ =	strace s5  }
0x97: {  	s5 =	sld [smem:$0x3FFD];
	_ =	sdelay $0x3  }
0x98: {  	_ =	strace s5  }
0x99: {  	_ =	strace $0x8FFFFFFF  }
0x9a: {  	s20 =	sld [smem:$0x3FDB];
	_ =	sdelay $0x1  }
0x9b: {  	s6 =	simm.s32 $_scs_section_size  }
0x9c: {  	s7 =	simm.s32 $_size__tile_overlayer_lowered;
	s8 =	simm.s32 $_tile_overlayer_lowered  }
0x9d: {  	s23 =	simm.s32 $0x1BFF;
	s22 =	sshll.u32 s8, $0x1;
	s5 =	sadd.s32 s6, s20  }
0x9e: {  	s9 =	simm.s32 $0x0;
	s21 =	sshll.u32 s7, $0x1;
	s7 =	sadd.s32 s22, s5  }
0x9f: {  	[timem:s9], [sflag:s23] =	dma.local [hbm:s7], s21  }
0xa0: {  	_ =	swait.ge [sflag:s23], s21  }
0xa1: {  	s6 =	ssub.s32 $0x0, s21;
	[sflag:s23] =	ssyncset.done $0x0  }
0xa2: {  	[sflag:s23] =	ssyncadd.s32 s6;
	_ =	sdelay $0x1  }
0xa3: {  	s24 =	simm.s32 $0x1B8B  }
0xa4: {  	_ =	swait.ge [sflag:s24], $0x1  }
0xa5: {  	[sflag:s24] =	ssyncset.done $0x0  }
0xa6: {  	s25 =	simm.s32 $0x1B8E;
	[sflag:s24] =	ssyncadd.s32 $0xFFFFFFFF  }
0xa7: {  	s26 =	simm.s32 $execute0_lowered;
	[smem:$0x3FD2] =	sst s25  }
0xa8: {  	s6 =	sshll.u32 s26, $0x1;
	_ =	strace $0x80000046;
	[dreg:$0x1] =	wrdreg $0xFFFFFFFF  }
0xa9: {  	s28 =	simm.s32 $_size_execute0_lowered;
	s5 =	sadd.s32 s5, s6;
	[dreg:$0x0] =	wrdreg $0x0  }
0xaa: {  	s6 =	sshll.u32 s28, $0x1;
	[dreg:$0x2] =	wrdreg s5  }
0xab: {  	[dreg:$0x3] =	wrdreg s6  }
0xac: {  	[dreg:$0x4] =	wrdreg $0xC0  }
0xad: {  	_ =	task [dreg:s9], $0x5FFFF  }
0xae: {  	[dreg:$0x1] =	wrdreg $0xFFFFFFFF  }
0xaf: {  	[dreg:$0x0] =	wrdreg $0x60  }
0xb0: {  	[dreg:$0x2] =	wrdreg s19  }
0xb1: {  	[dreg:$0x3] =	wrdreg s2  }
0xb2: {  	[dreg:$0x4] =	wrdreg s4  }
0xb3: {  	[dreg:$0x5] =	wrdreg $0x18E000  }
0xb4: {  	[dreg:$0x6] =	wrdreg $0x9  }
0xb5: {  	_ =	task.clear_ibuf [dreg:s9], $0x7FFFF;
	_ =	strace $0x90000046  }
0xb6: {  	s29 =	simm.s32 $0x9;
	_ =	strace $0x80000048  }
0xb7: {  	_ =	swait.ge [sflag:s29], $0x1  }
0xb8: {  	[sflag:s29] =	ssyncadd.s32 $0xFFFFFFFF  }
0xb9: {  	_ =	strace $0x90000048  }
0xba: {  	_ =	sfence  }
0xbb: {  	s30 =	sld [smem:$0x0];
	_ =	sdelay $0x2  }
0xbc: {  	s31 =	sshll.u32 s1, $0xD;
	s1 =	sshrl.u32 s1, $0x2  }
0xbd: {  	s3 =	sand.u32 $0x4000, s31;
	s1 =	sadd.s32 s1, s30  }
0xbe: {  	s0 =	sor.u32 s3, s0;
	s1 =	sshll.u32 s1, $0x11  }
0xbf: {  	s0 =	sor.u32 s1, s0  }
0xc0: {  	s0 =	sadd.s32 $0x8F2B, s0  }
0xc1: {  	[sflag:s0] =	ssyncadd.remote.s32 $0x1  }
0xc2: {  	_ =	sfence.sel $0xFFFF  }
0xc3: {  	[dreg:$0x0] =	wrdreg $0xFFFFFFFF;
	(pc) =	sbr.abs _section_cstart, $3  }
0xc4: {  	[dreg:$0x1] =	wrdreg $0xFFFFFFFF  }
0xc5: {  	_ =	task.clear_ibuf [dreg:s9], $0x2FFFF;
	_ =	strace $0x9FFFFFFF  }
0xc6: {  	(tm) =	ssettm $0x7FFFFFFF  }
0xc7: {  	_ =	shalt  }
tec
execute0_lowered:
.L_overlay_start_1:
0x0: {  	(tag) =	ssettag $0x1  }
0x1: {  	s0 =	srdreg.scid  }
0x2: {  	s1 =	stileid.u32;
	s9 =	rddreg [dreg:$0x1]  }
0x3: {  	s5 =	sand.u32 $0x1, s0;
	s15 =	sshll.u32 s1, $0x1;
	s20 =	smul.u32 $0x30C, s1  }
0x4: {  	s12 =	rddreg [dreg:$0x2];
	s2 =	sor.u32 s5, s15;
	s21 =	smul.u32 $0x186, s5  }
0x5: {  	s28 =	sadd.s32 $0x30C0, s9;
	s30 =	sadd.s32 $0x186000, s12;
	s6 =	smul.u32 $0x186, s2  }
0x6: {  	s14 =	ssub.s32 $0x2, s5;
	p3 =	sne.s32 s2, $0x0;
	s25 =	sadd.s32 s21, s20  }
0x7: {  	s16 =	sadd.s32 $0x186, s6;
	s3 =	sshrl.u32 s6, $0x5;
	s6 =	sand.u32 $0x3FE0, s6  }
0x8: {  	s29 =	sshll.u32 s25, $0x7;
	s0 =	sshrl.u32 s16, $0x5;
	s16 =	sshrl.u32 s14, $0x1  }
0x9: {  	s22 =	sadd.s32 s9, s6;
	s31 =	sand.u32 $0x3FF000, s29;
	s0 =	ssub.s32 s0, s3  }
0xa: {  	s14 =	ssub.s32 s14, s16;
	s7 =	sadd.s32 $0xFFFFFFFF, s0;
	s10 =	sadd.s32 $0xFFFFFFFE, s0  }
0xb: {  	s13 =	sadd.s32 $0xFFFFFFFD, s0;
	s17 =	sshll.u32 s7, $0x10;
	s11 =	smulhi.u32 $0xAAAAAAAB, s10  }
0xc: {  	s12 =	sadd.s32 s31, s12;
	s15 =	smulhi.u32 $0xAAAAAAAB, s13;
	s3 =	sshra.s32 s17, $0x10  }
0xd: {  	p1 =	slt.s32 s0, $0x2;
	p4 =	slt.s32 s0, $0x1;
	s4 =	smul.u32 $0x5556, s3  }
0xe: {  	p2 =	seq.s32 @!p1 s0, $0x2;
	s18 =	sshrl.u32 s11, $0x1;
	s19 =	sshrl.u32 s15, $0x1  }
0xf: {  	s11 =	smul.u32 $0x3, s19;
	s8 =	sshrl.u32 s4, $0x1F;
	s4 =	sshrl.u32 s4, $0x10  }
0x10: {  	p2 =	por p1, p2;
	s3 =	rddreg [dreg:$0x3];
	s8 =	sadd.s32 s8, s4  }
0x11: {  	s4 =	simm.s32 $0x0;
	s24 =	ssub.s32 s13, s11;
	s8 =	smul.u32 $0x3, s8  }
0x12: {  	s11 =	smax.u32 s14, $0x1;
	[smem:$0x7FF] =	sst s4;
	s26 =	sor.u32 $0x4, s24  }
0x13: {  	_ =	strace $0x80000047;
	[dreg:$0x5] =	wrdreg s22;
	s7 =	ssub.s32 s7, s8  }
0x14: {  	s14 =	simm.s32 $0x7;
	[dreg:$0x6] =	wrdreg s26;
	s7 =	sshll.u32 s7, $0x10  }
0x15: {  	[dreg:$0x7] =	wrdreg s28;
	s8 =	smul.u32 $0x3, s18;
	s7 =	sshra.s32 s7, $0x10  }
.Ltmp0:
0x16: {  	p0 =	slt.s32 s7, $0x0;
	s15 =	sadd.s32 $0x3, s7;
	(pc) =	sbr.rel .LBB2_1-.Ltmp0, $4  }
0x17: {  	[dreg:$0x8] =	wrdreg s30;
	s23 =	ssub.s32 s10, s8;
	s7 =	smov.u32 @p0 s15  }
0x18: {  	p0 =	sne.s32 s1, $0x0;
	s15 =	simm.s32 $0x8;
	s1 =	simm.s32 @!p4 $0x0  }
0x19: {  	s6 =	sadd.s32 $0x4, s7;
	s7 =	sor.u32 $0x4, s23;
	s1 =	simm.s32 @p4 $0x1  }
0x1a: {  	s13 =	sshrl.u32 @!p0 s3, $0x3;
	s23 =	simm.s32 $0x0;
	[smem:$0x7FD] =	sst s1  }
.LBB2_7:
0x1b: {  	_ =	swait.ge [sflag:s1], $0x8000  }
0x1c: {  	[sflag:s1] =	ssyncset.done $0x0  }
0x1d: {  	[sflag:s1] =	ssyncadd.s32 $0xFFFF8000  }
.LBB2_8:
0x1e: {  	s1 =	simm.s32 @!p3 $0x0;
	s2 =	simm.s32 @!p3 $0xD00;
	s5 =	rddreg [dreg:$0x7]  }
0x1f: {  	[tilespmem:s2], [sflag:$0x7] =	stream.linear.gather @!p3 [hbm4b:s5+s1], $0xA0, $0x38;
	[tilespmem:$0x191C0] =	vst v63  }
0x20: {  	s5 =	simm.s32 @!p3 $0x7  }
0x21: {  	_ =	swait.ge @!p3 [sflag:s5], $0xA0  }
0x22: {  	[sflag:s5] =	ssyncset.done @!p3 $0x0  }
0x23: {  	s8 =	simm.s32 @!p3 $0x80;
	s9 =	simm.s32 @!p3 $0xE00;
	[sflag:s5] =	ssyncadd.s32 @!p3 $0xFFFFFF60  }
0x24: {  	[tilespmem:s9], [sflag:$0x1] =	stream.indirect.gather @!p3 [spmem:s3], $0x80, s2, s8, $0xb8;
	[tilespmem:$0x191C0] =	vst v63  }
0x25: {  	s10 =	simm.s32 @!p3 $0x4E00;
	s2 =	simm.s32 @!p3 $0x20;
	s8 =	simm.s32 @!p3 $0xD80  }
0x26: {  	[tilespmem:s10], [sflag:$0x1] =	stream.indirect.gather @!p3 [spmem:s3], $0x80, s8, s2, $0xb8;
	[tilespmem:$0x191C0] =	vst v63  }
0x27: {  	s2 =	simm.s32 @!p3 $0x1  }
0x28: {  	_ =	swait.ge @!p3 [sflag:s2], $0x4000  }
0x29: {  	[sflag:s2] =	ssyncset.done @!p3 $0x0  }
0x2a: {  	[sflag:s2] =	ssyncadd.s32 @!p3 $0xFFFFC000  }
0x2b: {  	s23 =	sadd.s32 $0x1, s23;
	_ =	swait.ge @!p3 [sflag:s2], $0x1000  }
0x2c: {  	p4 =	sne.s32 s23, s11;
	[sflag:s2] =	ssyncset.done @!p3 $0x0  }
.Ltmp1:
0x2d: {  	[sflag:s2] =	ssyncadd.s32 @!p3 $0xFFFFF000;
	s2 =	rddreg [dreg:$0x8];
	(pc) =	sbr.rel @!p4 .LBB2_9-.Ltmp1, $4  }
0x2e: {  	[hbm4b:s2+s1] =	stream.linear.scatter @!p3 [tilespmem:s9], [sflag:$0x7], $0x5000, $0x38;
	[tilespmem:$0x191C0] =	vst v63  }
0x2f: {  	_ =	swait.ge @!p3 [sflag:s5], $0x5000  }
0x30: {  	[sflag:s5] =	ssyncset.done @!p3 $0x0  }
0x31: {  	[sflag:s5] =	ssyncadd.s32 @!p3 $0xFFFFB000  }
.LBB2_1:
0x32: {  	s1 =	simm.s32 @!p0 $0x1C07;
	s2 =	rddreg [dreg:$0x0]  }
0x33: {  	[spmem:s13], [sflag:s1] =	dma.local @!p0 [hbm:s2], $0x780  }
0x34: {  	s1 =	simm.s32 @!p0 $0x7  }
0x35: {  	_ =	swait.ge @!p0 [sflag:s1], $0x780  }
0x36: {  	[sflag:s1] =	ssyncset.done @!p0 $0x0  }
0x37: {  	s28 =	rddreg [dreg:$0x5];
	[sflag:s1] =	ssyncadd.s32 @!p0 $0xFFFFF880  }
0x38: {  	[tilespmem:s4], [sflag:$0x7] =	stream.linear.gather [hbm4b:s28+s4], $0xD00, $0x38;
	[tilespmem:$0x191C0] =	vst v63  }
0x39: {  	_ =	swait.ge [sflag:s14], $0xD00  }
0x3a: {  	[sflag:s14] =	ssyncset.done $0x0  }
.Ltmp2:
0x3b: {  	[sflag:s14] =	ssyncadd.s32 $0xFFFFF300;
	(pc) =	sbr.rel @p1 .LBB2_3-.Ltmp2, $4  }
0x3c: {  	s29 =	simm.s32 $0xE00;
	[bflag:$0x0] =	sbarrier.arrive $0xFFFF  }
0x3d: {  	[tilespmem:s29], [sflag:$0x1] =	stream.indirect.gather [spmem:s3], $0x80, s4, s15, $0xb8;
	[tilespmem:$0x191C0] =	vst v63  }
0x3e: {  	s30 =	simm.s32 $0x80;
	s31 =	simm.s32 $0x4E00  }
0x3f: {  	[tilespmem:s31], [sflag:$0x1] =	stream.indirect.gather [spmem:s3], $0x80, s30, s15, $0xb8;
	[tilespmem:$0x191C0] =	vst v63  }
.Ltmp3:
0x40: {  	(pc) =	sbr.rel .LBB2_4-.Ltmp3, $4  }
0x41: {  	s1 =	simm.s32 $0x100;
	s2 =	simm.s32 $0x8E00  }
0x42: {  	[tilespmem:s2], [sflag:$0x2] =	stream.indirect.gather [spmem:s3], $0x80, s1, s15, $0xb8;
	[tilespmem:$0x191C0] =	vst v63  }
0x43: {  	s30 =	simm.s32 $0x180;
	s31 =	simm.s32 $0xCE00  }
0x44: {  	[tilespmem:s31], [sflag:$0x2] =	stream.indirect.gather [spmem:s3], $0x80, s30, s15, $0xb8;
	[tilespmem:$0x191C0] =	vst v63  }
.LBB2_3:
0x45: {  	s2 =	sld [smem:$0x7FD];
	_ =	sdelay $0x2  }
0x46: {  	p4 =	seq.s32 s2, $0x1  }
.Ltmp4:
0x47: {  	_ = 	snop;
	(pc) =	sbr.rel @p4 .LBB2_7-.Ltmp4, $2  }
0x48: {  	_ =	sdelay $0x2  }
0x49: {  	s1 =	smov.u32 s6  }
.LBB2_4:
0x4a: {  	s1 =	simm.s32 $0x0  }
0x4b: {  	s2 =	simm.s32 $0xFFFFFFFF;
	s16 =	simm.s32 $0x2;
	s24 =	simm.s32 $0x200  }
0x4c: {  	s25 =	simm.s32 $0x1;
	p5 =	sgt.s32 s0, $0x1;
	s26 =	sadd.s32 $0x1000, s12  }
0x4d: {  	s28 =	simm.s32 $0x3;
	s29 =	simm.s32 $0x300;
	s1 =	smulhi.u32 $0xAAAAAAAB, s1  }
0x4e: {  	s30 =	simm.s32 $0x8E00;
	s31 =	simm.s32 $0x4;
	s19 =	smulhi.u32 $0xAAAAAAAB, s2  }
0x4f: {  	p4 =	por $0x1, $0x1;
	s16 =	smulhi.u32 $0xAAAAAAAB, s16;
	s1 =	sshrl.u32 s1, $0x1  }
0x50: {  	s2 =	simm.s32 $0x0;
	p6 =	sle.s32 @!p4 s0, $0x2;
	s17 =	smul.u32 $0xFFFFFFF4, s1  }
0x51: {  	p6 =	por p6, p4;
	s19 =	sshrl.u32 s19, $0x1;
	s1 =	smul.u32 $0xFFFA0000, s1  }
0x52: {  	s16 =	sshrl.u32 s16, $0x1;
	s19 =	smul.u32 $0xFFFFFFF4, s19;
	s17 =	sshra.s32 s17, $0x2  }
0x53: {  	p4 =	sle.s32 s0, $0x2;
	s21 =	smul.u32 $0xFFFFFFF4, s16;
	s17 =	sadd.s32 $0x0, s17  }
0x54: {  	s16 =	smul.u32 $0xFFFA0000, s16;
	s1 =	sshra.s32 s1, $0x2;
	s20 =	sadd.s32 $0x1, s17  }
0x55: {  	s19 =	sshra.s32 s19, $0x2;
	s21 =	sshra.s32 s21, $0x2;
	_ =	swait.ge [sflag:s20], $0x400  }
0x56: {  	s16 =	sshra.s32 s16, $0x2;
	s22 =	sadd.s32 $0xE00, s1;
	[sflag:s20] =	ssyncset.done $0x0  }
0x57: {  	s19 =	sadd.s32 $0x3, s19;
	s18 =	sadd.s32 $0x3, s21;
	[sflag:s20] =	ssyncadd.s32 $0xFFFFFC00  }
.Ltmp5:
0x58: {  	s1 =	sadd.s32 $0xE00, s16;
	_ =	swait.ge [sflag:s20], $0x400;
	(pc) =	sbr.rel @!p5 .LBB2_6-.Ltmp5, $4  }
0x59: {  	s21 =	simm.s32 @!p4 $0x8;
	s17 =	sadd.s32 $0x4, s17;
	[sflag:s20] =	ssyncset.done $0x0  }
0x5a: {  	s16 =	sadd.s32 @!p4 $0x0, s18;
	[sflag:s20] =	ssyncadd.s32 $0xFFFFFC00;
	s20 =	sadd.s32 @!p6 $0x0, s19  }
0x5b: {  	[hbm4b:s12+s4] =	stream.linear.scatter [tilespmem:s22], [sflag:s17], $0x8000, $0x38;
	[tilespmem:$0x191C0] =	vst v63  }
0x5c: {  	s22 =	simm.s32 @!p4 $0x280;
	s17 =	sadd.s32 @!p4 $0x10000, s1;
	_ =	swait.ge @!p6 [sflag:s20], $0x8000  }
.LBB2_5:
0x5d: {  	[sflag:s20] =	ssyncset.done @!p6 $0x0;
	s1 =	sadd.s32 @!p4 $0x14000, s1;
	s18 =	smov.u32 s25  }
0x5e: {  	s25 =	sadd.s32 $0x1, s25;
	s19 =	smov.u32 s26;
	s8 =	smov.u32 s28  }
0x5f: {  	p5 =	slt.s32 s25, s0;
	[sflag:s20] =	ssyncadd.s32 @!p6 $0xFFFF8000;
	s20 =	smov.u32 s30  }
0x60: {  	[tilespmem:s17], [sflag:s16] =	stream.indirect.gather @!p4 [spmem:s3], $0x80, s24, s21, $0xb8;
	[tilespmem:$0x191C0] =	vst v63  }
0x61: {  	s5 =	smov.u32 s31;
	s17 =	smulhi.u32 $0xAAAAAAAB, s18;
	s24 =	smov.u32 s29  }
0x62: {  	[tilespmem:s1], [sflag:s16] =	stream.indirect.gather @!p4 [spmem:s3], $0x80, s22, s21, $0xb8;
	[tilespmem:$0x191C0] =	vst v63  }
0x63: {  	s1 =	sshrl.u32 s17, $0x1  }
0x64: {  	s26 =	sadd.s32 $0x1000, s26;
	s28 =	sadd.s32 $0x1, s28;
	s16 =	smul.u32 $0xFFFFFFF4, s1  }
0x65: {  	s30 =	sadd.s32 $0x8000, s30;
	s29 =	sadd.s32 $0x100, s29;
	s1 =	smul.u32 $0xFFFA0000, s1  }
0x66: {  	s8 =	smulhi.u32 $0xAAAAAAAB, s8;
	s17 =	sshra.s32 s31, $0x2;
	s16 =	sshra.s32 s16, $0x2  }
0x67: {  	s31 =	sadd.s32 $0x4, s31;
	s1 =	sshra.s32 s1, $0x2;
	s16 =	sadd.s32 s17, s16  }
0x68: {  	s17 =	smulhi.u32 $0xAAAAAAAB, s2;
	s2 =	sadd.s32 $0x1, s2;
	s21 =	sadd.s32 $0x1, s16  }
0x69: {  	s18 =	sadd.s32 $0x2, s18;
	s16 =	sadd.s32 $0x4, s16;
	_ =	swait.ge [sflag:s21], $0x400  }
0x6a: {  	s8 =	sshrl.u32 s8, $0x1;
	s17 =	sshrl.u32 s17, $0x1;
	[sflag:s21] =	ssyncset.done $0x0  }
0x6b: {  	p4 =	seq.s32 s5, $0x0;
	s17 =	smul.u32 $0xFFFFFFF4, s17;
	[sflag:s21] =	ssyncadd.s32 $0xFFFFFC00  }
0x6c: {  	s22 =	smul.u32 $0xFFFFFFF4, s8;
	p6 =	sge.s32 @!p4 s18, s0;
	_ =	swait.ge [sflag:s21], $0x400  }
0x6d: {  	s8 =	smul.u32 $0xFFFA0000, s8;
	s17 =	sshra.s32 s17, $0x2;
	[sflag:s21] =	ssyncset.done $0x0  }
0x6e: {  	p6 =	por p6, p4;
	s9 =	sadd.s32 s1, s20;
	[sflag:s21] =	ssyncadd.s32 $0xFFFFFC00  }
0x6f: {  	s8 =	sshra.s32 s8, $0x2;
	s1 =	sshra.s32 s22, $0x2;
	s17 =	sadd.s32 $0x3, s17  }
.Ltmp6:
0x70: {  	s10 =	sadd.s32 $0x3, s1;
	s21 =	sshra.s32 @!p6 s5, $0x2;
	(pc) =	sbr.rel @p5 .LBB2_5-.Ltmp6, $4  }
0x71: {  	p4 =	sge.s32 s18, s0;
	s1 =	sadd.s32 s8, s20;
	s20 =	sadd.s32 @!p6 s21, s17  }
0x72: {  	s22 =	sadd.s32 @!p4 $0x80, s24;
	s5 =	sshra.s32 @!p4 s5, $0x2;
	s21 =	simm.s32 @!p4 $0x8  }
0x73: {  	[hbm4b:s19+s4] =	stream.linear.scatter [tilespmem:s9], [sflag:s16], $0x8000, $0x38;
	[tilespmem:$0x191C0] =	vst v63  }
0x74: {  	s17 =	sadd.s32 @!p4 $0x10000, s1;
	s16 =	sadd.s32 @!p4 s5, s10;
	_ =	swait.ge @!p6 [sflag:s20], $0x8000  }
.LBB2_6:
0x75: {  	[sflag:s20] =	ssyncset.done @!p6 $0x0  }
0x76: {  	[sflag:s20] =	ssyncadd.s32 @!p6 $0xFFFF8000  }
0x77: {  	[tilespmem:s17], [sflag:s16] =	stream.indirect.gather @!p4 [spmem:s3], $0x80, s24, s21, $0xb8;
	[tilespmem:$0x191C0] =	vst v63  }
0x78: {  	s1 =	sadd.s32 @!p4 $0x14000, s1  }
0x79: {  	[tilespmem:s1], [sflag:s16] =	stream.indirect.gather @!p4 [spmem:s3], $0x80, s22, s21, $0xb8;
	[tilespmem:$0x191C0] =	vst v63  }
0x7a: {  	_ =	swait.ge [sflag:s6], $0x8000  }
.Ltmp7:
0x7b: {  	[sflag:s6] =	ssyncset.done $0x0;
	(pc) =	sbr.rel @p2 .LBB2_8-.Ltmp7, $4  }
.Ltmp8:
0x7c: {  	[sflag:s6] =	ssyncadd.s32 $0xFFFF8000;
	(pc) =	sbr.rel @!p2 .LBB2_7-.Ltmp8, $4  }
0x7d: {  	_ =	swait.ge @!p1 [sflag:s7], $0x8000  }
0x7e: {  	[sflag:s7] =	ssyncset.done @!p1 $0x0  }
0x7f: {  	s1 =	rddreg [dreg:$0x6];
	[sflag:s7] =	ssyncadd.s32 @!p1 $0xFFFF8000  }
0x80: {  	_ = 	snop  }
.LBB2_9:
0x81: {  	_ =	sfence.sel $0x180000  }
0x82: {  	[bflag:$0x0] =	sbarrier.arrive $0xFFFF  }
0x83: {  	_ =	strace $0x90000047  }
0x84: {  	[bflag:$0x2] =	sbarrier.arrive $0xFFFF  }
0x85: {  	s0 =	rddreg [dreg:$0x4]  }
0x86: {  	s0 =	sadd.s32 @!p0 $0x100000, s0  }
0x87: {  	[sflag:s0] =	ssyncadd.tile.s32 @!p0 $0x1;
	_ =	shalt  }
.Lfunc_end2:
_tile_overlayer_lowered:
.L_overlay_start_2:
0x88: {  	(tag) =	ssettag $0x2  }
0x89: {  	s0 =	rddreg [dreg:$0x0];
	s2 =	stileid.u32  }
0x8a: {  	s1 =	rddreg [dreg:$0x1];
	p0 =	sne.s32 s2, $0x0  }
0x8b: {  	s3 =	rddreg [dreg:$0x2];
	[bflag:$0x3] =	sbarrier.arrive $0xFFFF;
	s2 =	simm.s32 @!p0 $0x1C07  }
0x8c: {  	[timem:s3], [sflag:s2] =	dma.local @!p0 [hbm:s0], s1  }
0x8d: {  	s0 =	simm.s32 @!p0 $0x7  }
0x8e: {  	_ =	swait.ge @!p0 [sflag:s0], s1  }
0x8f: {  	s1 =	ssub.s32 @!p0 $0x0, s1;
	[sflag:s0] =	ssyncset.done @!p0 $0x0  }
0x90: {  	[sflag:s0] =	ssyncadd.s32 @!p0 s1  }
0x91: {  	[bflag:$0x3] =	sbarrier.arrive $0xFFFF  }
0x92: {  	_ =	shalt  }

</sc_bundles>
